<compile_context>
chip_gen: v7x
topology: tpu7x:2x2x1
jax: 0.10.2.dev20260603
libtpu: 0.0.44.dev20260713+nightly
codegen_flags: <defaults>
</compile_context>

<pallas_src>
import functools

import jax
import jax.numpy as jnp
from jax import lax
from jax.experimental import pallas as pl
from jax.experimental.pallas import tpu as pltpu
from jax.experimental.pallas import tpu_sc as plsc

_NC = 2
_NS = 16
_L = 16
_NCHUNK = 3


def _tables_tc(node_embeds, R, W, b1):
    N, D = node_embeds.shape
    NR = R.shape[0]

    def body(ne_ref, r_ref, w_ref, b_ref, ntr_ref, ntc_ref, nth_ref,
             rtr_ref, rtq_ref):
        w = w_ref[...].reshape(5, D)
        nt = lax.dot_general(w, ne_ref[...], (((1,), (1,)), ((), ())),
                             preferred_element_type=jnp.float32)
        rt = lax.dot_general(w, r_ref[...], (((1,), (1,)), ((), ())),
                             preferred_element_type=jnp.float32)
        ntr_ref[...] = nt[0]
        ntc_ref[...] = nt[1]
        nth_ref[...] = nt[3]
        rtr_ref[...] = rt[2]
        rtq_ref[...] = rt[4] + b_ref[0]

    return pl.pallas_call(
        body,
        out_shape=[
            jax.ShapeDtypeStruct((N,), jnp.float32),
            jax.ShapeDtypeStruct((N,), jnp.float32),
            jax.ShapeDtypeStruct((N,), jnp.float32),
            jax.ShapeDtypeStruct((NR,), jnp.float32),
            jax.ShapeDtypeStruct((NR,), jnp.float32),
        ],
    )(node_embeds, R, W, b1)


def _edge_sum_sc(bei, types, bids, h_index, r_index,
                 ntr, ntc, nth, rtr, rtq):
    E = types.shape[0]
    N = ntr.shape[0]
    NR = rtr.shape[0]
    B = h_index.shape[0]
    NW = _NC * _NS
    assert E % 128 == 0, E
    chunk = (E // 128 // NW) * 128
    tail = E - chunk * NW
    C = chunk // _NCHUNK
    assert chunk % (_NCHUNK * 128) == 0, chunk
    assert tail % _L == 0 and tail <= C, tail
    assert B % _L == 0, B
    mesh = plsc.VectorSubcoreMesh(core_axis_name="c", subcore_axis_name="s")

    @functools.partial(
        pl.kernel,
        mesh=mesh,
        out_type=jax.ShapeDtypeStruct((E,), jnp.float32),
        compiler_params=pltpu.CompilerParams(needs_layout_passes=False),
        scratch_types=[
            pltpu.VMEM((2, 2 * C), jnp.int32),
            pltpu.VMEM((2 * C,), jnp.int32),
            pltpu.VMEM((2 * C,), jnp.int32),
            pltpu.VMEM((N,), jnp.float32),
            pltpu.VMEM((N,), jnp.float32),
            pltpu.VMEM((N,), jnp.float32),
            pltpu.VMEM((NR,), jnp.float32),
            pltpu.VMEM((NR,), jnp.float32),
            pltpu.VMEM((B,), jnp.int32),
            pltpu.VMEM((B,), jnp.int32),
            pltpu.VMEM((B,), jnp.float32),
            pltpu.VMEM((chunk,), jnp.float32),
            pltpu.SemaphoreType.DMA,
            pltpu.SemaphoreType.DMA,
            pltpu.SemaphoreType.DMA,
            pltpu.SemaphoreType.DMA,
            pltpu.SemaphoreType.DMA,
        ],
    )
    def k(bei_h, types_h, bids_h, hidx_h, ridx_h,
          ntr_h, ntc_h, nth_h, rtr_h, rtq_h, out_h,
          rc_v, types_v, bids_v,
          ntr_v, ntc_v, nth_v, rtr_v, rtq_v,
          hidx_v, ridx_v, H_v, out_v, sem0, sem1, semt, semu, semo):
        wid = lax.axis_index("s") * _NC + lax.axis_index("c")
        base = wid * chunk
        sems = (sem0, sem1)

        def start(lo, n, p):
            return [
                pltpu.async_copy(bei_h.at[:, pl.ds(lo, n)],
                                 rc_v.at[:, pl.ds(p * C, n)], sems[p]),
                pltpu.async_copy(types_h.at[pl.ds(lo, n)],
                                 types_v.at[pl.ds(p * C, n)], sems[p]),
                pltpu.async_copy(bids_h.at[pl.ds(lo, n)],
                                 bids_v.at[pl.ds(p * C, n)], sems[p]),
            ]

        pending = start(base, C, 0)
        hdescs = [
            pltpu.async_copy(nth_h, nth_v, semt),
            pltpu.async_copy(rtq_h, rtq_v, semt),
            pltpu.async_copy(hidx_h, hidx_v, semt),
            pltpu.async_copy(ridx_h, ridx_v, semt),
        ]
        tdescs = [
            pltpu.async_copy(ntr_h, ntr_v, semu),
            pltpu.async_copy(ntc_h, ntc_v, semu),
            pltpu.async_copy(rtr_h, rtr_v, semu),
        ]
        for d in hdescs:
            d.wait()

        for j in range(B // _L):
            hi = hidx_v[pl.ds(j * _L, _L)]
            ri = ridx_v[pl.ds(j * _L, _L)]
            H_v[pl.ds(j * _L, _L)] = (plsc.load_gather(nth_v, [hi])
                                      + plsc.load_gather(rtq_v, [ri]))

        for d in tdescs:
            d.wait()

        def run_block(p, n, out_lo):
            buf_lo = p * C

            @plsc.parallel_loop(0, n, _L, unroll=16)
            def body(off):
                r = rc_v[0, pl.ds(buf_lo + off, _L)]
                c = rc_v[1, pl.ds(buf_lo + off, _L)]
                t = types_v[pl.ds(buf_lo + off, _L)]
                g = bids_v[pl.ds(buf_lo + off, _L)]
                out_v[pl.ds(out_lo + off, _L)] = (
                    plsc.load_gather(ntr_v, [r])
                    + plsc.load_gather(ntc_v, [c])
                    + plsc.load_gather(rtr_v, [t])
                    + plsc.load_gather(H_v, [g]))

        odescs = []
        for ci in range(_NCHUNK):
            p = ci & 1
            nxt = pending if ci + 1 == _NCHUNK else start(
                base + (ci + 1) * C, C, 1 - p)
            for d in pending:
                d.wait()
            pending = nxt
            run_block(p, C, ci * C)
            odescs.append(
                pltpu.async_copy(out_v.at[pl.ds(ci * C, C)],
                                 out_h.at[pl.ds(base + ci * C, C)], semo))
        for d in odescs:
            d.wait()

        if tail:
            @pl.when(wid == 0)
            def _():
                tail_lo = NW * chunk
                for d in start(tail_lo, tail, 0):
                    d.wait()
                run_block(0, tail, 0)
                pltpu.sync_copy(out_v.at[pl.ds(0, tail)],
                                out_h.at[pl.ds(tail_lo, tail)])

    return k(bei, types, bids, h_index, r_index,
             ntr, ntc, nth, rtr, rtq)


def kernel(batch_edge_index, batch_edge_type, batch_id, h_index, r_index,
           node_embeds, R, W, b):
    E = batch_edge_type.shape[0]
    ntr, ntc, nth, rtr, rtq = _tables_tc(node_embeds, R, W,
                                         b.astype(jnp.float32))
    out = _edge_sum_sc(
        batch_edge_index, batch_edge_type, batch_id,
        h_index, r_index, ntr, ntc, nth, rtr, rtq,
    )
    return out.reshape(E, 1)

# --- scband reference (transcript-rebuilt; emitter-appended) ---
"""Pipeline reference for scband-rel-pgexplainer-57123065036979 (READ-ONLY COPY).

The authoritative reference and input builder live on the scoring server;
editing this copy changes nothing except your own understanding.
"""

import jax, jax.numpy as jnp
import numpy as np

N_NODES = 10000
N_EDGES = 320000
D = 128
NUM_REL = 256
BATCH = 64

def setup_inputs(seed: int = 0) -> dict:
    key = jax.random.key(seed)
    ks = jax.random.split(key, 9)
    batch_edge_index = jax.random.randint(ks[0], (2, N_EDGES), 0, N_NODES, dtype=jnp.int64 if jax.config.jax_enable_x64 else jnp.int32).astype(jnp.int32)
    batch_edge_type = jax.random.randint(ks[1], (N_EDGES,), 0, NUM_REL).astype(jnp.int32)
    batch_id = jnp.sort(jax.random.randint(ks[2], (N_EDGES,), 0, BATCH)).astype(jnp.int32)
    h_index = jax.random.randint(ks[3], (BATCH,), 0, N_NODES).astype(jnp.int32)
    r_index = jax.random.randint(ks[4], (BATCH,), 0, NUM_REL).astype(jnp.int32)
    node_embeds = jax.random.normal(ks[5], (N_NODES, D), dtype=jnp.float32)
    R = jax.random.normal(ks[6], (NUM_REL, D), dtype=jnp.float32)
    # explainer_model: single nn.Linear(5*D, 1) since rel_emb=True, num_mlp_layer=1
    W = jax.random.normal(ks[7], (1, 5 * D), dtype=jnp.float32) * 0.02
    b = jnp.zeros((1,), dtype=jnp.float32)
    return {
        "batch_edge_index": batch_edge_index,
        "batch_edge_type": batch_edge_type,
        "batch_id": batch_id,
        "h_index": h_index,
        "r_index": r_index,
        "node_embeds": node_embeds,
        "R": R,
        "W": W,
        "b": b,
    }

def reference(batch_edge_index, batch_edge_type, batch_id, h_index, r_index, node_embeds, R, W, b):
    # Faithful translation of RelPGExplainer.create_expl_input followed by
    # the explainer_model MLP (single Linear(5*emb, 1)).
    rows = batch_edge_index[0]
    cols = batch_edge_index[1]
    row_embeds = jnp.take(node_embeds, rows, axis=0)
    col_embeds = jnp.take(node_embeds, cols, axis=0)
    rel_embeds = jnp.take(R, batch_edge_type, axis=0)
    head_embeds = jnp.take(node_embeds, h_index, axis=0)
    head_embeds = jnp.take(head_embeds, batch_id, axis=0)
    query_embeds = jnp.take(R, r_index, axis=0)
    query_embeds = jnp.take(query_embeds, batch_id, axis=0)
    input_expl = jnp.concatenate([row_embeds, col_embeds, rel_embeds, head_embeds, query_embeds], axis=1)
    explanation = input_expl @ W.T + b  # [E, 1]
    return explanation

if __name__ == "__main__":
    import jax
    _d = setup_inputs()
    print(jax.jit(kernel)(*tuple(_d.values())))

</pallas_src>

<mosaic_0001>
#map = affine_map<(d0, d1) -> (0, 0)>
#map1 = affine_map<(d0, d1) -> (0)>
module attributes {stable_mosaic.version = 14 : i64} {
  func.func @k(%arg0: i32, %arg1: i32, %arg2: memref<2x320000xi32, #tpu.memory_space<hbm>>, %arg3: memref<320000xi32, #tpu.memory_space<hbm>>, %arg4: memref<320000xi32, #tpu.memory_space<hbm>>, %arg5: memref<64xi32, #tpu.memory_space<hbm>>, %arg6: memref<64xi32, #tpu.memory_space<hbm>>, %arg7: memref<10000xf32, #tpu.memory_space<hbm>>, %arg8: memref<10000xf32, #tpu.memory_space<hbm>>, %arg9: memref<10000xf32, #tpu.memory_space<hbm>>, %arg10: memref<256xf32, #tpu.memory_space<hbm>>, %arg11: memref<256xf32, #tpu.memory_space<hbm>>, %arg12: memref<320000xf32, #tpu.memory_space<hbm>>, %arg13: memref<2x6656xi32, #tpu.memory_space<vmem>>, %arg14: memref<6656xi32, #tpu.memory_space<vmem>>, %arg15: memref<6656xi32, #tpu.memory_space<vmem>>, %arg16: memref<10000xf32, #tpu.memory_space<vmem>>, %arg17: memref<10000xf32, #tpu.memory_space<vmem>>, %arg18: memref<10000xf32, #tpu.memory_space<vmem>>, %arg19: memref<256xf32, #tpu.memory_space<vmem>>, %arg20: memref<256xf32, #tpu.memory_space<vmem>>, %arg21: memref<64xi32, #tpu.memory_space<vmem>>, %arg22: memref<64xi32, #tpu.memory_space<vmem>>, %arg23: memref<64xf32, #tpu.memory_space<vmem>>, %arg24: memref<9984xf32, #tpu.memory_space<vmem>>, %arg25: memref<!tpu.dma_semaphore, #tpu.memory_space<semaphore_mem>>, %arg26: memref<!tpu.dma_semaphore, #tpu.memory_space<semaphore_mem>>, %arg27: memref<!tpu.dma_semaphore, #tpu.memory_space<semaphore_mem>>, %arg28: memref<!tpu.dma_semaphore, #tpu.memory_space<semaphore_mem>>, %arg29: memref<!tpu.dma_semaphore, #tpu.memory_space<semaphore_mem>>) attributes {dimension_semantics = [#tpu.dimension_semantics<core_parallel>, #tpu.dimension_semantics<subcore_parallel>], iteration_bounds = array<i64: 2, 16>, scalar_prefetch = 0 : i64, scratch_operands = 17 : i64, tpu.core_type = #tpu.core_type<sc_vector_subcore>, window_params = [{transform_indices = #map}, {transform_indices = #map1}, {transform_indices = #map1}, {transform_indices = #map1}, {transform_indices = #map1}, {transform_indices = #map1}, {transform_indices = #map1}, {transform_indices = #map1}, {transform_indices = #map1}, {transform_indices = #map1}, {transform_indices = #map1}]} {
    %mul3A = arith.constant 2 : i32
    %mul3A_0 = arith.muli %arg1, %mul3A : i32
    %add3A = arith.addi %mul3A_0, %arg0 : i32
    %mul3A_1 = arith.constant 9984 : i32
    %mul3A_2 = arith.muli %add3A, %mul3A_1 : i32
    %dma_start3A = arith.constant 0 : i32
    %dma_start3A_3 = arith.constant 0 : i32
    %dma_start3A_4 = tpu.memref_slice %arg13[%dma_start3A, %dma_start3A_3] : memref<2x6656xi32, #tpu.memory_space<vmem>> -> memref<2x3328xi32, #tpu.memory_space<vmem>>
    %dma_start3A_5 = arith.constant 0 : i32
    %dma_start3A_6 = tpu.memref_slice %arg2[%dma_start3A_5, %mul3A_2] : memref<2x320000xi32, #tpu.memory_space<hbm>> -> memref<2x3328xi32, #tpu.memory_space<hbm>>
    %dma_start3A_7 = arith.constant 0 : i32
    %dma_start3A_8 = arith.constant 0 : i32
    %dma_start3A_9 = tpu.memref_slice %arg13[%dma_start3A_7, %dma_start3A_8] : memref<2x6656xi32, #tpu.memory_space<vmem>> -> memref<2x3328xi32, #tpu.memory_space<vmem>>
    %dma_start3A_10 = arith.constant 0 : i32
    %dma_start3A_11 = tpu.memref_slice %arg2[%dma_start3A_10, %mul3A_2] : memref<2x320000xi32, #tpu.memory_space<hbm>> -> memref<2x3328xi32, #tpu.memory_space<hbm>>
    tpu.enqueue_dma source(%dma_start3A_11 : memref<2x3328xi32, #tpu.memory_space<hbm>>) target(%dma_start3A_9 : memref<2x3328xi32, #tpu.memory_space<vmem>>) target_semaphore(%arg25 : memref<!tpu.dma_semaphore, #tpu.memory_space<semaphore_mem>>)
    %dma_start3A_12 = arith.constant 0 : i32
    %dma_start3A_13 = tpu.memref_slice %arg14[%dma_start3A_12] : memref<6656xi32, #tpu.memory_space<vmem>> -> memref<3328xi32, #tpu.memory_space<vmem>>
    %dma_start3A_14 = tpu.memref_slice %arg3[%mul3A_2] : memref<320000xi32, #tpu.memory_space<hbm>> -> memref<3328xi32, #tpu.memory_space<hbm>>
    %dma_start3A_15 = arith.constant 0 : i32
    %dma_start3A_16 = tpu.memref_slice %arg14[%dma_start3A_15] : memref<6656xi32, #tpu.memory_space<vmem>> -> memref<3328xi32, #tpu.memory_space<vmem>>
    %dma_start3A_17 = tpu.memref_slice %arg3[%mul3A_2] : memref<320000xi32, #tpu.memory_space<hbm>> -> memref<3328xi32, #tpu.memory_space<hbm>>
    tpu.enqueue_dma source(%dma_start3A_17 : memref<3328xi32, #tpu.memory_space<hbm>>) target(%dma_start3A_16 : memref<3328xi32, #tpu.memory_space<vmem>>) target_semaphore(%arg25 : memref<!tpu.dma_semaphore, #tpu.memory_space<semaphore_mem>>)
    %dma_start3A_18 = arith.constant 0 : i32
    %dma_start3A_19 = tpu.memref_slice %arg15[%dma_start3A_18] : memref<6656xi32, #tpu.memory_space<vmem>> -> memref<3328xi32, #tpu.memory_space<vmem>>
    %dma_start3A_20 = tpu.memref_slice %arg4[%mul3A_2] : memref<320000xi32, #tpu.memory_space<hbm>> -> memref<3328xi32, #tpu.memory_space<hbm>>
    %dma_start3A_21 = arith.constant 0 : i32
    %dma_start3A_22 = tpu.memref_slice %arg15[%dma_start3A_21] : memref<6656xi32, #tpu.memory_space<vmem>> -> memref<3328xi32, #tpu.memory_space<vmem>>
    %dma_start3A_23 = tpu.memref_slice %arg4[%mul3A_2] : memref<320000xi32, #tpu.memory_space<hbm>> -> memref<3328xi32, #tpu.memory_space<hbm>>
    tpu.enqueue_dma source(%dma_start3A_23 : memref<3328xi32, #tpu.memory_space<hbm>>) target(%dma_start3A_22 : memref<3328xi32, #tpu.memory_space<vmem>>) target_semaphore(%arg25 : memref<!tpu.dma_semaphore, #tpu.memory_space<semaphore_mem>>)
    tpu.enqueue_dma source(%arg9 : memref<10000xf32, #tpu.memory_space<hbm>>) target(%arg18 : memref<10000xf32, #tpu.memory_space<vmem>>) target_semaphore(%arg27 : memref<!tpu.dma_semaphore, #tpu.memory_space<semaphore_mem>>)
    tpu.enqueue_dma source(%arg11 : memref<256xf32, #tpu.memory_space<hbm>>) target(%arg20 : memref<256xf32, #tpu.memory_space<vmem>>) target_semaphore(%arg27 : memref<!tpu.dma_semaphore, #tpu.memory_space<semaphore_mem>>)
    tpu.enqueue_dma source(%arg5 : memref<64xi32, #tpu.memory_space<hbm>>) target(%arg21 : memref<64xi32, #tpu.memory_space<vmem>>) target_semaphore(%arg27 : memref<!tpu.dma_semaphore, #tpu.memory_space<semaphore_mem>>)
    tpu.enqueue_dma source(%arg6 : memref<64xi32, #tpu.memory_space<hbm>>) target(%arg22 : memref<64xi32, #tpu.memory_space<vmem>>) target_semaphore(%arg27 : memref<!tpu.dma_semaphore, #tpu.memory_space<semaphore_mem>>)
    tpu.enqueue_dma source(%arg7 : memref<10000xf32, #tpu.memory_space<hbm>>) target(%arg16 : memref<10000xf32, #tpu.memory_space<vmem>>) target_semaphore(%arg28 : memref<!tpu.dma_semaphore, #tpu.memory_space<semaphore_mem>>)
    tpu.enqueue_dma source(%arg8 : memref<10000xf32, #tpu.memory_space<hbm>>) target(%arg17 : memref<10000xf32, #tpu.memory_space<vmem>>) target_semaphore(%arg28 : memref<!tpu.dma_semaphore, #tpu.memory_space<semaphore_mem>>)
    tpu.enqueue_dma source(%arg10 : memref<256xf32, #tpu.memory_space<hbm>>) target(%arg19 : memref<256xf32, #tpu.memory_space<vmem>>) target_semaphore(%arg28 : memref<!tpu.dma_semaphore, #tpu.memory_space<semaphore_mem>>)
    tpu.wait_dma2 semaphore(%arg27 : memref<!tpu.dma_semaphore, #tpu.memory_space<semaphore_mem>>) src(%arg9 : memref<10000xf32, #tpu.memory_space<hbm>>) dst(%arg18 : memref<10000xf32, #tpu.memory_space<vmem>>)
    tpu.wait_dma2 semaphore(%arg27 : memref<!tpu.dma_semaphore, #tpu.memory_space<semaphore_mem>>) src(%arg11 : memref<256xf32, #tpu.memory_space<hbm>>) dst(%arg20 : memref<256xf32, #tpu.memory_space<vmem>>)
    tpu.wait_dma2 semaphore(%arg27 : memref<!tpu.dma_semaphore, #tpu.memory_space<semaphore_mem>>) src(%arg5 : memref<64xi32, #tpu.memory_space<hbm>>) dst(%arg21 : memref<64xi32, #tpu.memory_space<vmem>>)
    tpu.wait_dma2 semaphore(%arg27 : memref<!tpu.dma_semaphore, #tpu.memory_space<semaphore_mem>>) src(%arg6 : memref<64xi32, #tpu.memory_space<hbm>>) dst(%arg22 : memref<64xi32, #tpu.memory_space<vmem>>)
    %get3A = arith.constant 0 : index
    %get3A_24 = tpu.vector_load %arg21[%get3A] {strides = array<i32>} : memref<64xi32, #tpu.memory_space<vmem>>, vector<16xi32>,
    %get3A_25 = arith.constant 0 : index
    %get3A_26 = tpu.vector_load %arg22[%get3A_25] {strides = array<i32>} : memref<64xi32, #tpu.memory_space<vmem>>, vector<16xi32>,
    %gather3A = tpu.vector_load_idx %arg18[%get3A_24] : memref<10000xf32, #tpu.memory_space<vmem>>[vector<16xi32>], vector<16xf32>,
    %gather3A_27 = tpu.vector_load_idx %arg20[%get3A_26] : memref<256xf32, #tpu.memory_space<vmem>>[vector<16xi32>], vector<16xf32>,
    %add3A_28 = arith.addf %gather3A, %gather3A_27 : vector<16xf32>
    %swap3A = arith.constant 0 : index
    %swap3A_29 = tpu.vector_load %arg23[%swap3A] {strides = array<i32>} : memref<64xf32, #tpu.memory_space<vmem>>, vector<16xf32>,
    tpu.vector_store %arg23[%swap3A], %add3A_28 {strides = array<i32>} : memref<64xf32, #tpu.memory_space<vmem>>, vector<16xf32>,
    %get3A_30 = arith.constant 16 : index
    %get3A_31 = tpu.vector_load %arg21[%get3A_30] {strides = array<i32>} : memref<64xi32, #tpu.memory_space<vmem>>, vector<16xi32>,
    %get3A_32 = arith.constant 16 : index
    %get3A_33 = tpu.vector_load %arg22[%get3A_32] {strides = array<i32>} : memref<64xi32, #tpu.memory_space<vmem>>, vector<16xi32>,
    %gather3A_34 = tpu.vector_load_idx %arg18[%get3A_31] : memref<10000xf32, #tpu.memory_space<vmem>>[vector<16xi32>], vector<16xf32>,
    %gather3A_35 = tpu.vector_load_idx %arg20[%get3A_33] : memref<256xf32, #tpu.memory_space<vmem>>[vector<16xi32>], vector<16xf32>,
    %add3A_36 = arith.addf %gather3A_34, %gather3A_35 : vector<16xf32>
    %swap3A_37 = arith.constant 16 : index
    %swap3A_38 = tpu.vector_load %arg23[%swap3A_37] {strides = array<i32>} : memref<64xf32, #tpu.memory_space<vmem>>, vector<16xf32>,
    tpu.vector_store %arg23[%swap3A_37], %add3A_36 {strides = array<i32>} : memref<64xf32, #tpu.memory_space<vmem>>, vector<16xf32>,
    %get3A_39 = arith.constant 32 : index
    %get3A_40 = tpu.vector_load %arg21[%get3A_39] {strides = array<i32>} : memref<64xi32, #tpu.memory_space<vmem>>, vector<16xi32>,
    %get3A_41 = arith.constant 32 : index
    %get3A_42 = tpu.vector_load %arg22[%get3A_41] {strides = array<i32>} : memref<64xi32, #tpu.memory_space<vmem>>, vector<16xi32>,
    %gather3A_43 = tpu.vector_load_idx %arg18[%get3A_40] : memref<10000xf32, #tpu.memory_space<vmem>>[vector<16xi32>], vector<16xf32>,
    %gather3A_44 = tpu.vector_load_idx %arg20[%get3A_42] : memref<256xf32, #tpu.memory_space<vmem>>[vector<16xi32>], vector<16xf32>,
    %add3A_45 = arith.addf %gather3A_43, %gather3A_44 : vector<16xf32>
    %swap3A_46 = arith.constant 32 : index
    %swap3A_47 = tpu.vector_load %arg23[%swap3A_46] {strides = array<i32>} : memref<64xf32, #tpu.memory_space<vmem>>, vector<16xf32>,
    tpu.vector_store %arg23[%swap3A_46], %add3A_45 {strides = array<i32>} : memref<64xf32, #tpu.memory_space<vmem>>, vector<16xf32>,
    %get3A_48 = arith.constant 48 : index
    %get3A_49 = tpu.vector_load %arg21[%get3A_48] {strides = array<i32>} : memref<64xi32, #tpu.memory_space<vmem>>, vector<16xi32>,
    %get3A_50 = arith.constant 48 : index
    %get3A_51 = tpu.vector_load %arg22[%get3A_50] {strides = array<i32>} : memref<64xi32, #tpu.memory_space<vmem>>, vector<16xi32>,
    %gather3A_52 = tpu.vector_load_idx %arg18[%get3A_49] : memref<10000xf32, #tpu.memory_space<vmem>>[vector<16xi32>], vector<16xf32>,
    %gather3A_53 = tpu.vector_load_idx %arg20[%get3A_51] : memref<256xf32, #tpu.memory_space<vmem>>[vector<16xi32>], vector<16xf32>,
    %add3A_54 = arith.addf %gather3A_52, %gather3A_53 : vector<16xf32>
    %swap3A_55 = arith.constant 48 : index
    %swap3A_56 = tpu.vector_load %arg23[%swap3A_55] {strides = array<i32>} : memref<64xf32, #tpu.memory_space<vmem>>, vector<16xf32>,
    tpu.vector_store %arg23[%swap3A_55], %add3A_54 {strides = array<i32>} : memref<64xf32, #tpu.memory_space<vmem>>, vector<16xf32>,
    tpu.wait_dma2 semaphore(%arg28 : memref<!tpu.dma_semaphore, #tpu.memory_space<semaphore_mem>>) src(%arg7 : memref<10000xf32, #tpu.memory_space<hbm>>) dst(%arg16 : memref<10000xf32, #tpu.memory_space<vmem>>)
    tpu.wait_dma2 semaphore(%arg28 : memref<!tpu.dma_semaphore, #tpu.memory_space<semaphore_mem>>) src(%arg8 : memref<10000xf32, #tpu.memory_space<hbm>>) dst(%arg17 : memref<10000xf32, #tpu.memory_space<vmem>>)
    tpu.wait_dma2 semaphore(%arg28 : memref<!tpu.dma_semaphore, #tpu.memory_space<semaphore_mem>>) src(%arg10 : memref<256xf32, #tpu.memory_space<hbm>>) dst(%arg19 : memref<256xf32, #tpu.memory_space<vmem>>)
    %add3A_57 = arith.constant 3328 : i32
    %add3A_58 = arith.addi %mul3A_2, %add3A_57 : i32
    %dma_start3A_59 = arith.constant 0 : i32
    %dma_start3A_60 = arith.constant 3328 : i32
    %dma_start3A_61 = tpu.memref_slice %arg13[%dma_start3A_59, %dma_start3A_60] : memref<2x6656xi32, #tpu.memory_space<vmem>> -> memref<2x3328xi32, #tpu.memory_space<vmem>>
    %dma_start3A_62 = arith.constant 0 : i32
    %dma_start3A_63 = tpu.memref_slice %arg2[%dma_start3A_62, %add3A_58] : memref<2x320000xi32, #tpu.memory_space<hbm>> -> memref<2x3328xi32, #tpu.memory_space<hbm>>
    %dma_start3A_64 = arith.constant 0 : i32
    %dma_start3A_65 = arith.constant 3328 : i32
    %dma_start3A_66 = tpu.memref_slice %arg13[%dma_start3A_64, %dma_start3A_65] : memref<2x6656xi32, #tpu.memory_space<vmem>> -> memref<2x3328xi32, #tpu.memory_space<vmem>>
    %dma_start3A_67 = arith.constant 0 : i32
    %dma_start3A_68 = tpu.memref_slice %arg2[%dma_start3A_67, %add3A_58] : memref<2x320000xi32, #tpu.memory_space<hbm>> -> memref<2x3328xi32, #tpu.memory_space<hbm>>
    tpu.enqueue_dma source(%dma_start3A_68 : memref<2x3328xi32, #tpu.memory_space<hbm>>) target(%dma_start3A_66 : memref<2x3328xi32, #tpu.memory_space<vmem>>) target_semaphore(%arg26 : memref<!tpu.dma_semaphore, #tpu.memory_space<semaphore_mem>>)
    %dma_start3A_69 = arith.constant 3328 : i32
    %dma_start3A_70 = tpu.memref_slice %arg14[%dma_start3A_69] : memref<6656xi32, #tpu.memory_space<vmem>> -> memref<3328xi32, #tpu.memory_space<vmem>>
    %dma_start3A_71 = tpu.memref_slice %arg3[%add3A_58] : memref<320000xi32, #tpu.memory_space<hbm>> -> memref<3328xi32, #tpu.memory_space<hbm>>
    %dma_start3A_72 = arith.constant 3328 : i32
    %dma_start3A_73 = tpu.memref_slice %arg14[%dma_start3A_72] : memref<6656xi32, #tpu.memory_space<vmem>> -> memref<3328xi32, #tpu.memory_space<vmem>>
    %dma_start3A_74 = tpu.memref_slice %arg3[%add3A_58] : memref<320000xi32, #tpu.memory_space<hbm>> -> memref<3328xi32, #tpu.memory_space<hbm>>
    tpu.enqueue_dma source(%dma_start3A_74 : memref<3328xi32, #tpu.memory_space<hbm>>) target(%dma_start3A_73 : memref<3328xi32, #tpu.memory_space<vmem>>) target_semaphore(%arg26 : memref<!tpu.dma_semaphore, #tpu.memory_space<semaphore_mem>>)
    %dma_start3A_75 = arith.constant 3328 : i32
    %dma_start3A_76 = tpu.memref_slice %arg15[%dma_start3A_75] : memref<6656xi32, #tpu.memory_space<vmem>> -> memref<3328xi32, #tpu.memory_space<vmem>>
    %dma_start3A_77 = tpu.memref_slice %arg4[%add3A_58] : memref<320000xi32, #tpu.memory_space<hbm>> -> memref<3328xi32, #tpu.memory_space<hbm>>
    %dma_start3A_78 = arith.constant 3328 : i32
    %dma_start3A_79 = tpu.memref_slice %arg15[%dma_start3A_78] : memref<6656xi32, #tpu.memory_space<vmem>> -> memref<3328xi32, #tpu.memory_space<vmem>>
    %dma_start3A_80 = tpu.memref_slice %arg4[%add3A_58] : memref<320000xi32, #tpu.memory_space<hbm>> -> memref<3328xi32, #tpu.memory_space<hbm>>
    tpu.enqueue_dma source(%dma_start3A_80 : memref<3328xi32, #tpu.memory_space<hbm>>) target(%dma_start3A_79 : memref<3328xi32, #tpu.memory_space<vmem>>) target_semaphore(%arg26 : memref<!tpu.dma_semaphore, #tpu.memory_space<semaphore_mem>>)
    %dma_wait3A = arith.constant 0 : i32
    %dma_wait3A_81 = arith.constant 0 : i32
    %dma_wait3A_82 = tpu.memref_slice %arg13[%dma_wait3A, %dma_wait3A_81] : memref<2x6656xi32, #tpu.memory_space<vmem>> -> memref<2x3328xi32, #tpu.memory_space<vmem>>
    %dma_wait3A_83 = arith.constant 0 : i32
    %dma_wait3A_84 = tpu.memref_slice %arg2[%dma_wait3A_83, %mul3A_2] : memref<2x320000xi32, #tpu.memory_space<hbm>> -> memref<2x3328xi32, #tpu.memory_space<hbm>>
    %dma_wait3A_85 = arith.constant 0 : i32
    %dma_wait3A_86 = arith.constant 0 : i32
    %dma_wait3A_87 = tpu.memref_slice %arg13[%dma_wait3A_85, %dma_wait3A_86] : memref<2x6656xi32, #tpu.memory_space<vmem>> -> memref<2x3328xi32, #tpu.memory_space<vmem>>
    %dma_wait3A_88 = arith.constant 0 : i32
    %dma_wait3A_89 = tpu.memref_slice %arg2[%dma_wait3A_88, %mul3A_2] : memref<2x320000xi32, #tpu.memory_space<hbm>> -> memref<2x3328xi32, #tpu.memory_space<hbm>>
    tpu.wait_dma2 semaphore(%arg25 : memref<!tpu.dma_semaphore, #tpu.memory_space<semaphore_mem>>) src(%dma_wait3A_89 : memref<2x3328xi32, #tpu.memory_space<hbm>>) dst(%dma_wait3A_87 : memref<2x3328xi32, #tpu.memory_space<vmem>>)
    %dma_wait3A_90 = arith.constant 0 : i32
    %dma_wait3A_91 = tpu.memref_slice %arg14[%dma_wait3A_90] : memref<6656xi32, #tpu.memory_space<vmem>> -> memref<3328xi32, #tpu.memory_space<vmem>>
    %dma_wait3A_92 = tpu.memref_slice %arg3[%mul3A_2] : memref<320000xi32, #tpu.memory_space<hbm>> -> memref<3328xi32, #tpu.memory_space<hbm>>
    %dma_wait3A_93 = arith.constant 0 : i32
    %dma_wait3A_94 = tpu.memref_slice %arg14[%dma_wait3A_93] : memref<6656xi32, #tpu.memory_space<vmem>> -> memref<3328xi32, #tpu.memory_space<vmem>>
    %dma_wait3A_95 = tpu.memref_slice %arg3[%mul3A_2] : memref<320000xi32, #tpu.memory_space<hbm>> -> memref<3328xi32, #tpu.memory_space<hbm>>
    tpu.wait_dma2 semaphore(%arg25 : memref<!tpu.dma_semaphore, #tpu.memory_space<semaphore_mem>>) src(%dma_wait3A_95 : memref<3328xi32, #tpu.memory_space<hbm>>) dst(%dma_wait3A_94 : memref<3328xi32, #tpu.memory_space<vmem>>)
    %dma_wait3A_96 = arith.constant 0 : i32
    %dma_wait3A_97 = tpu.memref_slice %arg15[%dma_wait3A_96] : memref<6656xi32, #tpu.memory_space<vmem>> -> memref<3328xi32, #tpu.memory_space<vmem>>
    %dma_wait3A_98 = tpu.memref_slice %arg4[%mul3A_2] : memref<320000xi32, #tpu.memory_space<hbm>> -> memref<3328xi32, #tpu.memory_space<hbm>>
    %dma_wait3A_99 = arith.constant 0 : i32
    %dma_wait3A_100 = tpu.memref_slice %arg15[%dma_wait3A_99] : memref<6656xi32, #tpu.memory_space<vmem>> -> memref<3328xi32, #tpu.memory_space<vmem>>
    %dma_wait3A_101 = tpu.memref_slice %arg4[%mul3A_2] : memref<320000xi32, #tpu.memory_space<hbm>> -> memref<3328xi32, #tpu.memory_space<hbm>>
    tpu.wait_dma2 semaphore(%arg25 : memref<!tpu.dma_semaphore, #tpu.memory_space<semaphore_mem>>) src(%dma_wait3A_101 : memref<3328xi32, #tpu.memory_space<hbm>>) dst(%dma_wait3A_100 : memref<3328xi32, #tpu.memory_space<vmem>>)
    %parallel_loop3A = arith.constant 0 : i32
    %parallel_loop3A_102 = arith.constant 3328 : i32
    %parallel_loop3A_103 = arith.constant 16 : i32
    scf.for %parallel_loop3A_222 = %parallel_loop3A to %parallel_loop3A_102 step %parallel_loop3A_103  : i32 {
      %parallel_loop3A_223 = arith.constant 0 : i32
      %parallel_loop3A_224 = arith.addi %parallel_loop3A_223, %parallel_loop3A_222 : i32
      %parallel_loop3A_225 = arith.constant 0 : i32
      %parallel_loop3A_226 = arith.index_cast %parallel_loop3A_225 : i32 to index
      %parallel_loop3A_227 = arith.index_cast %parallel_loop3A_224 : i32 to index
      %parallel_loop3A_228 = tpu.vector_load %arg13[%parallel_loop3A_226, %parallel_loop3A_227] {strides = array<i32>} : memref<2x6656xi32, #tpu.memory_space<vmem>>, vector<16xi32>,
      %parallel_loop3A_229 = arith.constant 0 : i32
      %parallel_loop3A_230 = arith.addi %parallel_loop3A_229, %parallel_loop3A_222 : i32
      %parallel_loop3A_231 = arith.constant 1 : i32
      %parallel_loop3A_232 = arith.index_cast %parallel_loop3A_231 : i32 to index
      %parallel_loop3A_233 = arith.index_cast %parallel_loop3A_230 : i32 to index
      %parallel_loop3A_234 = tpu.vector_load %arg13[%parallel_loop3A_232, %parallel_loop3A_233] {strides = array<i32>} : memref<2x6656xi32, #tpu.memory_space<vmem>>, vector<16xi32>,
      %parallel_loop3A_235 = arith.constant 0 : i32
      %parallel_loop3A_236 = arith.addi %parallel_loop3A_235, %parallel_loop3A_222 : i32
      %parallel_loop3A_237 = arith.index_cast %parallel_loop3A_236 : i32 to index
      %parallel_loop3A_238 = tpu.vector_load %arg14[%parallel_loop3A_237] {strides = array<i32>} : memref<6656xi32, #tpu.memory_space<vmem>>, vector<16xi32>,
      %parallel_loop3A_239 = arith.constant 0 : i32
      %parallel_loop3A_240 = arith.addi %parallel_loop3A_239, %parallel_loop3A_222 : i32
      %parallel_loop3A_241 = arith.index_cast %parallel_loop3A_240 : i32 to index
      %parallel_loop3A_242 = tpu.vector_load %arg15[%parallel_loop3A_241] {strides = array<i32>} : memref<6656xi32, #tpu.memory_space<vmem>>, vector<16xi32>,
      %parallel_loop3A_243 = tpu.vector_load_idx %arg16[%parallel_loop3A_228] : memref<10000xf32, #tpu.memory_space<vmem>>[vector<16xi32>], vector<16xf32>,
      %parallel_loop3A_244 = tpu.vector_load_idx %arg17[%parallel_loop3A_234] : memref<10000xf32, #tpu.memory_space<vmem>>[vector<16xi32>], vector<16xf32>,
      %parallel_loop3A_245 = arith.addf %parallel_loop3A_243, %parallel_loop3A_244 : vector<16xf32>
      %parallel_loop3A_246 = tpu.vector_load_idx %arg19[%parallel_loop3A_238] : memref<256xf32, #tpu.memory_space<vmem>>[vector<16xi32>], vector<16xf32>,
      %parallel_loop3A_247 = arith.addf %parallel_loop3A_245, %parallel_loop3A_246 : vector<16xf32>
      %parallel_loop3A_248 = tpu.vector_load_idx %arg23[%parallel_loop3A_242] : memref<64xf32, #tpu.memory_space<vmem>>[vector<16xi32>], vector<16xf32>,
      %parallel_loop3A_249 = arith.addf %parallel_loop3A_247, %parallel_loop3A_248 : vector<16xf32>
      %parallel_loop3A_250 = arith.constant 0 : i32
      %parallel_loop3A_251 = arith.addi %parallel_loop3A_250, %parallel_loop3A_222 : i32
      %parallel_loop3A_252 = arith.index_cast %parallel_loop3A_251 : i32 to index
      %parallel_loop3A_253 = tpu.vector_load %arg24[%parallel_loop3A_252] {strides = array<i32>} : memref<9984xf32, #tpu.memory_space<vmem>>, vector<16xf32>,
      tpu.vector_store %arg24[%parallel_loop3A_252], %parallel_loop3A_249 {strides = array<i32>} : memref<9984xf32, #tpu.memory_space<vmem>>, vector<16xf32>,
    } {sc.loop_unroll_factor = 16 : i64, sc.parallel_access}
    %add3A_104 = arith.constant 0 : i32
    %add3A_105 = arith.addi %mul3A_2, %add3A_104 : i32
    %dma_start3A_106 = arith.constant 0 : i32
    %dma_start3A_107 = tpu.memref_slice %arg24[%dma_start3A_106] : memref<9984xf32, #tpu.memory_space<vmem>> -> memref<3328xf32, #tpu.memory_space<vmem>>
    %dma_start3A_108 = tpu.memref_slice %arg12[%add3A_105] : memref<320000xf32, #tpu.memory_space<hbm>> -> memref<3328xf32, #tpu.memory_space<hbm>>
    %dma_start3A_109 = tpu.memref_slice %arg12[%add3A_105] : memref<320000xf32, #tpu.memory_space<hbm>> -> memref<3328xf32, #tpu.memory_space<hbm>>
    %dma_start3A_110 = arith.constant 0 : i32
    %dma_start3A_111 = tpu.memref_slice %arg24[%dma_start3A_110] : memref<9984xf32, #tpu.memory_space<vmem>> -> memref<3328xf32, #tpu.memory_space<vmem>>
    tpu.enqueue_dma source(%dma_start3A_111 : memref<3328xf32, #tpu.memory_space<vmem>>) target(%dma_start3A_109 : memref<3328xf32, #tpu.memory_space<hbm>>) target_semaphore(%arg29 : memref<!tpu.dma_semaphore, #tpu.memory_space<semaphore_mem>>)
    %add3A_112 = arith.constant 6656 : i32
    %add3A_113 = arith.addi %mul3A_2, %add3A_112 : i32
    %dma_start3A_114 = arith.constant 0 : i32
    %dma_start3A_115 = arith.constant 0 : i32
    %dma_start3A_116 = tpu.memref_slice %arg13[%dma_start3A_114, %dma_start3A_115] : memref<2x6656xi32, #tpu.memory_space<vmem>> -> memref<2x3328xi32, #tpu.memory_space<vmem>>
    %dma_start3A_117 = arith.constant 0 : i32
    %dma_start3A_118 = tpu.memref_slice %arg2[%dma_start3A_117, %add3A_113] : memref<2x320000xi32, #tpu.memory_space<hbm>> -> memref<2x3328xi32, #tpu.memory_space<hbm>>
    %dma_start3A_119 = arith.constant 0 : i32
    %dma_start3A_120 = arith.constant 0 : i32
    %dma_start3A_121 = tpu.memref_slice %arg13[%dma_start3A_119, %dma_start3A_120] : memref<2x6656xi32, #tpu.memory_space<vmem>> -> memref<2x3328xi32, #tpu.memory_space<vmem>>
    %dma_start3A_122 = arith.constant 0 : i32
    %dma_start3A_123 = tpu.memref_slice %arg2[%dma_start3A_122, %add3A_113] : memref<2x320000xi32, #tpu.memory_space<hbm>> -> memref<2x3328xi32, #tpu.memory_space<hbm>>
    tpu.enqueue_dma source(%dma_start3A_123 : memref<2x3328xi32, #tpu.memory_space<hbm>>) target(%dma_start3A_121 : memref<2x3328xi32, #tpu.memory_space<vmem>>) target_semaphore(%arg25 : memref<!tpu.dma_semaphore, #tpu.memory_space<semaphore_mem>>)
    %dma_start3A_124 = arith.constant 0 : i32
    %dma_start3A_125 = tpu.memref_slice %arg14[%dma_start3A_124] : memref<6656xi32, #tpu.memory_space<vmem>> -> memref<3328xi32, #tpu.memory_space<vmem>>
    %dma_start3A_126 = tpu.memref_slice %arg3[%add3A_113] : memref<320000xi32, #tpu.memory_space<hbm>> -> memref<3328xi32, #tpu.memory_space<hbm>>
    %dma_start3A_127 = arith.constant 0 : i32
    %dma_start3A_128 = tpu.memref_slice %arg14[%dma_start3A_127] : memref<6656xi32, #tpu.memory_space<vmem>> -> memref<3328xi32, #tpu.memory_space<vmem>>
    %dma_start3A_129 = tpu.memref_slice %arg3[%add3A_113] : memref<320000xi32, #tpu.memory_space<hbm>> -> memref<3328xi32, #tpu.memory_space<hbm>>
    tpu.enqueue_dma source(%dma_start3A_129 : memref<3328xi32, #tpu.memory_space<hbm>>) target(%dma_start3A_128 : memref<3328xi32, #tpu.memory_space<vmem>>) target_semaphore(%arg25 : memref<!tpu.dma_semaphore, #tpu.memory_space<semaphore_mem>>)
    %dma_start3A_130 = arith.constant 0 : i32
    %dma_start3A_131 = tpu.memref_slice %arg15[%dma_start3A_130] : memref<6656xi32, #tpu.memory_space<vmem>> -> memref<3328xi32, #tpu.memory_space<vmem>>
    %dma_start3A_132 = tpu.memref_slice %arg4[%add3A_113] : memref<320000xi32, #tpu.memory_space<hbm>> -> memref<3328xi32, #tpu.memory_space<hbm>>
    %dma_start3A_133 = arith.constant 0 : i32
    %dma_start3A_134 = tpu.memref_slice %arg15[%dma_start3A_133] : memref<6656xi32, #tpu.memory_space<vmem>> -> memref<3328xi32, #tpu.memory_space<vmem>>
    %dma_start3A_135 = tpu.memref_slice %arg4[%add3A_113] : memref<320000xi32, #tpu.memory_space<hbm>> -> memref<3328xi32, #tpu.memory_space<hbm>>
    tpu.enqueue_dma source(%dma_start3A_135 : memref<3328xi32, #tpu.memory_space<hbm>>) target(%dma_start3A_134 : memref<3328xi32, #tpu.memory_space<vmem>>) target_semaphore(%arg25 : memref<!tpu.dma_semaphore, #tpu.memory_space<semaphore_mem>>)
    %dma_wait3A_136 = arith.constant 0 : i32
    %dma_wait3A_137 = arith.constant 3328 : i32
    %dma_wait3A_138 = tpu.memref_slice %arg13[%dma_wait3A_136, %dma_wait3A_137] : memref<2x6656xi32, #tpu.memory_space<vmem>> -> memref<2x3328xi32, #tpu.memory_space<vmem>>
    %dma_wait3A_139 = arith.constant 0 : i32
    %dma_wait3A_140 = tpu.memref_slice %arg2[%dma_wait3A_139, %add3A_58] : memref<2x320000xi32, #tpu.memory_space<hbm>> -> memref<2x3328xi32, #tpu.memory_space<hbm>>
    %dma_wait3A_141 = arith.constant 0 : i32
    %dma_wait3A_142 = arith.constant 3328 : i32
    %dma_wait3A_143 = tpu.memref_slice %arg13[%dma_wait3A_141, %dma_wait3A_142] : memref<2x6656xi32, #tpu.memory_space<vmem>> -> memref<2x3328xi32, #tpu.memory_space<vmem>>
    %dma_wait3A_144 = arith.constant 0 : i32
    %dma_wait3A_145 = tpu.memref_slice %arg2[%dma_wait3A_144, %add3A_58] : memref<2x320000xi32, #tpu.memory_space<hbm>> -> memref<2x3328xi32, #tpu.memory_space<hbm>>
    tpu.wait_dma2 semaphore(%arg26 : memref<!tpu.dma_semaphore, #tpu.memory_space<semaphore_mem>>) src(%dma_wait3A_145 : memref<2x3328xi32, #tpu.memory_space<hbm>>) dst(%dma_wait3A_143 : memref<2x3328xi32, #tpu.memory_space<vmem>>)
    %dma_wait3A_146 = arith.constant 3328 : i32
    %dma_wait3A_147 = tpu.memref_slice %arg14[%dma_wait3A_146] : memref<6656xi32, #tpu.memory_space<vmem>> -> memref<3328xi32, #tpu.memory_space<vmem>>
    %dma_wait3A_148 = tpu.memref_slice %arg3[%add3A_58] : memref<320000xi32, #tpu.memory_space<hbm>> -> memref<3328xi32, #tpu.memory_space<hbm>>
    %dma_wait3A_149 = arith.constant 3328 : i32
    %dma_wait3A_150 = tpu.memref_slice %arg14[%dma_wait3A_149] : memref<6656xi32, #tpu.memory_space<vmem>> -> memref<3328xi32, #tpu.memory_space<vmem>>
    %dma_wait3A_151 = tpu.memref_slice %arg3[%add3A_58] : memref<320000xi32, #tpu.memory_space<hbm>> -> memref<3328xi32, #tpu.memory_space<hbm>>
    tpu.wait_dma2 semaphore(%arg26 : memref<!tpu.dma_semaphore, #tpu.memory_space<semaphore_mem>>) src(%dma_wait3A_151 : memref<3328xi32, #tpu.memory_space<hbm>>) dst(%dma_wait3A_150 : memref<3328xi32, #tpu.memory_space<vmem>>)
    %dma_wait3A_152 = arith.constant 3328 : i32
    %dma_wait3A_153 = tpu.memref_slice %arg15[%dma_wait3A_152] : memref<6656xi32, #tpu.memory_space<vmem>> -> memref<3328xi32, #tpu.memory_space<vmem>>
    %dma_wait3A_154 = tpu.memref_slice %arg4[%add3A_58] : memref<320000xi32, #tpu.memory_space<hbm>> -> memref<3328xi32, #tpu.memory_space<hbm>>
    %dma_wait3A_155 = arith.constant 3328 : i32
    %dma_wait3A_156 = tpu.memref_slice %arg15[%dma_wait3A_155] : memref<6656xi32, #tpu.memory_space<vmem>> -> memref<3328xi32, #tpu.memory_space<vmem>>
    %dma_wait3A_157 = tpu.memref_slice %arg4[%add3A_58] : memref<320000xi32, #tpu.memory_space<hbm>> -> memref<3328xi32, #tpu.memory_space<hbm>>
    tpu.wait_dma2 semaphore(%arg26 : memref<!tpu.dma_semaphore, #tpu.memory_space<semaphore_mem>>) src(%dma_wait3A_157 : memref<3328xi32, #tpu.memory_space<hbm>>) dst(%dma_wait3A_156 : memref<3328xi32, #tpu.memory_space<vmem>>)
    %parallel_loop3A_158 = arith.constant 0 : i32
    %parallel_loop3A_159 = arith.constant 3328 : i32
    %parallel_loop3A_160 = arith.constant 16 : i32
    scf.for %parallel_loop3A_222 = %parallel_loop3A_158 to %parallel_loop3A_159 step %parallel_loop3A_160  : i32 {
      %parallel_loop3A_223 = arith.constant 3328 : i32
      %parallel_loop3A_224 = arith.addi %parallel_loop3A_223, %parallel_loop3A_222 : i32
      %parallel_loop3A_225 = arith.constant 0 : i32
      %parallel_loop3A_226 = arith.index_cast %parallel_loop3A_225 : i32 to index
      %parallel_loop3A_227 = arith.index_cast %parallel_loop3A_224 : i32 to index
      %parallel_loop3A_228 = tpu.vector_load %arg13[%parallel_loop3A_226, %parallel_loop3A_227] {strides = array<i32>} : memref<2x6656xi32, #tpu.memory_space<vmem>>, vector<16xi32>,
      %parallel_loop3A_229 = arith.constant 3328 : i32
      %parallel_loop3A_230 = arith.addi %parallel_loop3A_229, %parallel_loop3A_222 : i32
      %parallel_loop3A_231 = arith.constant 1 : i32
      %parallel_loop3A_232 = arith.index_cast %parallel_loop3A_231 : i32 to index
      %parallel_loop3A_233 = arith.index_cast %parallel_loop3A_230 : i32 to index
      %parallel_loop3A_234 = tpu.vector_load %arg13[%parallel_loop3A_232, %parallel_loop3A_233] {strides = array<i32>} : memref<2x6656xi32, #tpu.memory_space<vmem>>, vector<16xi32>,
      %parallel_loop3A_235 = arith.constant 3328 : i32
      %parallel_loop3A_236 = arith.addi %parallel_loop3A_235, %parallel_loop3A_222 : i32
      %parallel_loop3A_237 = arith.index_cast %parallel_loop3A_236 : i32 to index
      %parallel_loop3A_238 = tpu.vector_load %arg14[%parallel_loop3A_237] {strides = array<i32>} : memref<6656xi32, #tpu.memory_space<vmem>>, vector<16xi32>,
      %parallel_loop3A_239 = arith.constant 3328 : i32
      %parallel_loop3A_240 = arith.addi %parallel_loop3A_239, %parallel_loop3A_222 : i32
      %parallel_loop3A_241 = arith.index_cast %parallel_loop3A_240 : i32 to index
      %parallel_loop3A_242 = tpu.vector_load %arg15[%parallel_loop3A_241] {strides = array<i32>} : memref<6656xi32, #tpu.memory_space<vmem>>, vector<16xi32>,
      %parallel_loop3A_243 = tpu.vector_load_idx %arg16[%parallel_loop3A_228] : memref<10000xf32, #tpu.memory_space<vmem>>[vector<16xi32>], vector<16xf32>,
      %parallel_loop3A_244 = tpu.vector_load_idx %arg17[%parallel_loop3A_234] : memref<10000xf32, #tpu.memory_space<vmem>>[vector<16xi32>], vector<16xf32>,
      %parallel_loop3A_245 = arith.addf %parallel_loop3A_243, %parallel_loop3A_244 : vector<16xf32>
      %parallel_loop3A_246 = tpu.vector_load_idx %arg19[%parallel_loop3A_238] : memref<256xf32, #tpu.memory_space<vmem>>[vector<16xi32>], vector<16xf32>,
      %parallel_loop3A_247 = arith.addf %parallel_loop3A_245, %parallel_loop3A_246 : vector<16xf32>
      %parallel_loop3A_248 = tpu.vector_load_idx %arg23[%parallel_loop3A_242] : memref<64xf32, #tpu.memory_space<vmem>>[vector<16xi32>], vector<16xf32>,
      %parallel_loop3A_249 = arith.addf %parallel_loop3A_247, %parallel_loop3A_248 : vector<16xf32>
      %parallel_loop3A_250 = arith.constant 3328 : i32
      %parallel_loop3A_251 = arith.addi %parallel_loop3A_250, %parallel_loop3A_222 : i32
      %parallel_loop3A_252 = arith.index_cast %parallel_loop3A_251 : i32 to index
      %parallel_loop3A_253 = tpu.vector_load %arg24[%parallel_loop3A_252] {strides = array<i32>} : memref<9984xf32, #tpu.memory_space<vmem>>, vector<16xf32>,
      tpu.vector_store %arg24[%parallel_loop3A_252], %parallel_loop3A_249 {strides = array<i32>} : memref<9984xf32, #tpu.memory_space<vmem>>, vector<16xf32>,
    } {sc.loop_unroll_factor = 16 : i64, sc.parallel_access}
    %add3A_161 = arith.constant 3328 : i32
    %add3A_162 = arith.addi %mul3A_2, %add3A_161 : i32
    %dma_start3A_163 = arith.constant 3328 : i32
    %dma_start3A_164 = tpu.memref_slice %arg24[%dma_start3A_163] : memref<9984xf32, #tpu.memory_space<vmem>> -> memref<3328xf32, #tpu.memory_space<vmem>>
    %dma_start3A_165 = tpu.memref_slice %arg12[%add3A_162] : memref<320000xf32, #tpu.memory_space<hbm>> -> memref<3328xf32, #tpu.memory_space<hbm>>
    %dma_start3A_166 = tpu.memref_slice %arg12[%add3A_162] : memref<320000xf32, #tpu.memory_space<hbm>> -> memref<3328xf32, #tpu.memory_space<hbm>>
    %dma_start3A_167 = arith.constant 3328 : i32
    %dma_start3A_168 = tpu.memref_slice %arg24[%dma_start3A_167] : memref<9984xf32, #tpu.memory_space<vmem>> -> memref<3328xf32, #tpu.memory_space<vmem>>
    tpu.enqueue_dma source(%dma_start3A_168 : memref<3328xf32, #tpu.memory_space<vmem>>) target(%dma_start3A_166 : memref<3328xf32, #tpu.memory_space<hbm>>) target_semaphore(%arg29 : memref<!tpu.dma_semaphore, #tpu.memory_space<semaphore_mem>>)
    %dma_wait3A_169 = arith.constant 0 : i32
    %dma_wait3A_170 = arith.constant 0 : i32
    %dma_wait3A_171 = tpu.memref_slice %arg13[%dma_wait3A_169, %dma_wait3A_170] : memref<2x6656xi32, #tpu.memory_space<vmem>> -> memref<2x3328xi32, #tpu.memory_space<vmem>>
    %dma_wait3A_172 = arith.constant 0 : i32
    %dma_wait3A_173 = tpu.memref_slice %arg2[%dma_wait3A_172, %add3A_113] : memref<2x320000xi32, #tpu.memory_space<hbm>> -> memref<2x3328xi32, #tpu.memory_space<hbm>>
    %dma_wait3A_174 = arith.constant 0 : i32
    %dma_wait3A_175 = arith.constant 0 : i32
    %dma_wait3A_176 = tpu.memref_slice %arg13[%dma_wait3A_174, %dma_wait3A_175] : memref<2x6656xi32, #tpu.memory_space<vmem>> -> memref<2x3328xi32, #tpu.memory_space<vmem>>
    %dma_wait3A_177 = arith.constant 0 : i32
    %dma_wait3A_178 = tpu.memref_slice %arg2[%dma_wait3A_177, %add3A_113] : memref<2x320000xi32, #tpu.memory_space<hbm>> -> memref<2x3328xi32, #tpu.memory_space<hbm>>
    tpu.wait_dma2 semaphore(%arg25 : memref<!tpu.dma_semaphore, #tpu.memory_space<semaphore_mem>>) src(%dma_wait3A_178 : memref<2x3328xi32, #tpu.memory_space<hbm>>) dst(%dma_wait3A_176 : memref<2x3328xi32, #tpu.memory_space<vmem>>)
    %dma_wait3A_179 = arith.constant 0 : i32
    %dma_wait3A_180 = tpu.memref_slice %arg14[%dma_wait3A_179] : memref<6656xi32, #tpu.memory_space<vmem>> -> memref<3328xi32, #tpu.memory_space<vmem>>
    %dma_wait3A_181 = tpu.memref_slice %arg3[%add3A_113] : memref<320000xi32, #tpu.memory_space<hbm>> -> memref<3328xi32, #tpu.memory_space<hbm>>
    %dma_wait3A_182 = arith.constant 0 : i32
    %dma_wait3A_183 = tpu.memref_slice %arg14[%dma_wait3A_182] : memref<6656xi32, #tpu.memory_space<vmem>> -> memref<3328xi32, #tpu.memory_space<vmem>>
    %dma_wait3A_184 = tpu.memref_slice %arg3[%add3A_113] : memref<320000xi32, #tpu.memory_space<hbm>> -> memref<3328xi32, #tpu.memory_space<hbm>>
    tpu.wait_dma2 semaphore(%arg25 : memref<!tpu.dma_semaphore, #tpu.memory_space<semaphore_mem>>) src(%dma_wait3A_184 : memref<3328xi32, #tpu.memory_space<hbm>>) dst(%dma_wait3A_183 : memref<3328xi32, #tpu.memory_space<vmem>>)
    %dma_wait3A_185 = arith.constant 0 : i32
    %dma_wait3A_186 = tpu.memref_slice %arg15[%dma_wait3A_185] : memref<6656xi32, #tpu.memory_space<vmem>> -> memref<3328xi32, #tpu.memory_space<vmem>>
    %dma_wait3A_187 = tpu.memref_slice %arg4[%add3A_113] : memref<320000xi32, #tpu.memory_space<hbm>> -> memref<3328xi32, #tpu.memory_space<hbm>>
    %dma_wait3A_188 = arith.constant 0 : i32
    %dma_wait3A_189 = tpu.memref_slice %arg15[%dma_wait3A_188] : memref<6656xi32, #tpu.memory_space<vmem>> -> memref<3328xi32, #tpu.memory_space<vmem>>
    %dma_wait3A_190 = tpu.memref_slice %arg4[%add3A_113] : memref<320000xi32, #tpu.memory_space<hbm>> -> memref<3328xi32, #tpu.memory_space<hbm>>
    tpu.wait_dma2 semaphore(%arg25 : memref<!tpu.dma_semaphore, #tpu.memory_space<semaphore_mem>>) src(%dma_wait3A_190 : memref<3328xi32, #tpu.memory_space<hbm>>) dst(%dma_wait3A_189 : memref<3328xi32, #tpu.memory_space<vmem>>)
    %parallel_loop3A_191 = arith.constant 0 : i32
    %parallel_loop3A_192 = arith.constant 3328 : i32
    %parallel_loop3A_193 = arith.constant 16 : i32
    scf.for %parallel_loop3A_222 = %parallel_loop3A_191 to %parallel_loop3A_192 step %parallel_loop3A_193  : i32 {
      %parallel_loop3A_223 = arith.constant 0 : i32
      %parallel_loop3A_224 = arith.addi %parallel_loop3A_223, %parallel_loop3A_222 : i32
      %parallel_loop3A_225 = arith.constant 0 : i32
      %parallel_loop3A_226 = arith.index_cast %parallel_loop3A_225 : i32 to index
      %parallel_loop3A_227 = arith.index_cast %parallel_loop3A_224 : i32 to index
      %parallel_loop3A_228 = tpu.vector_load %arg13[%parallel_loop3A_226, %parallel_loop3A_227] {strides = array<i32>} : memref<2x6656xi32, #tpu.memory_space<vmem>>, vector<16xi32>,
      %parallel_loop3A_229 = arith.constant 0 : i32
      %parallel_loop3A_230 = arith.addi %parallel_loop3A_229, %parallel_loop3A_222 : i32
      %parallel_loop3A_231 = arith.constant 1 : i32
      %parallel_loop3A_232 = arith.index_cast %parallel_loop3A_231 : i32 to index
      %parallel_loop3A_233 = arith.index_cast %parallel_loop3A_230 : i32 to index
      %parallel_loop3A_234 = tpu.vector_load %arg13[%parallel_loop3A_232, %parallel_loop3A_233] {strides = array<i32>} : memref<2x6656xi32, #tpu.memory_space<vmem>>, vector<16xi32>,
      %parallel_loop3A_235 = arith.constant 0 : i32
      %parallel_loop3A_236 = arith.addi %parallel_loop3A_235, %parallel_loop3A_222 : i32
      %parallel_loop3A_237 = arith.index_cast %parallel_loop3A_236 : i32 to index
      %parallel_loop3A_238 = tpu.vector_load %arg14[%parallel_loop3A_237] {strides = array<i32>} : memref<6656xi32, #tpu.memory_space<vmem>>, vector<16xi32>,
      %parallel_loop3A_239 = arith.constant 0 : i32
      %parallel_loop3A_240 = arith.addi %parallel_loop3A_239, %parallel_loop3A_222 : i32
      %parallel_loop3A_241 = arith.index_cast %parallel_loop3A_240 : i32 to index
      %parallel_loop3A_242 = tpu.vector_load %arg15[%parallel_loop3A_241] {strides = array<i32>} : memref<6656xi32, #tpu.memory_space<vmem>>, vector<16xi32>,
      %parallel_loop3A_243 = tpu.vector_load_idx %arg16[%parallel_loop3A_228] : memref<10000xf32, #tpu.memory_space<vmem>>[vector<16xi32>], vector<16xf32>,
      %parallel_loop3A_244 = tpu.vector_load_idx %arg17[%parallel_loop3A_234] : memref<10000xf32, #tpu.memory_space<vmem>>[vector<16xi32>], vector<16xf32>,
      %parallel_loop3A_245 = arith.addf %parallel_loop3A_243, %parallel_loop3A_244 : vector<16xf32>
      %parallel_loop3A_246 = tpu.vector_load_idx %arg19[%parallel_loop3A_238] : memref<256xf32, #tpu.memory_space<vmem>>[vector<16xi32>], vector<16xf32>,
      %parallel_loop3A_247 = arith.addf %parallel_loop3A_245, %parallel_loop3A_246 : vector<16xf32>
      %parallel_loop3A_248 = tpu.vector_load_idx %arg23[%parallel_loop3A_242] : memref<64xf32, #tpu.memory_space<vmem>>[vector<16xi32>], vector<16xf32>,
      %parallel_loop3A_249 = arith.addf %parallel_loop3A_247, %parallel_loop3A_248 : vector<16xf32>
      %parallel_loop3A_250 = arith.constant 6656 : i32
      %parallel_loop3A_251 = arith.addi %parallel_loop3A_250, %parallel_loop3A_222 : i32
      %parallel_loop3A_252 = arith.index_cast %parallel_loop3A_251 : i32 to index
      %parallel_loop3A_253 = tpu.vector_load %arg24[%parallel_loop3A_252] {strides = array<i32>} : memref<9984xf32, #tpu.memory_space<vmem>>, vector<16xf32>,
      tpu.vector_store %arg24[%parallel_loop3A_252], %parallel_loop3A_249 {strides = array<i32>} : memref<9984xf32, #tpu.memory_space<vmem>>, vector<16xf32>,
    } {sc.loop_unroll_factor = 16 : i64, sc.parallel_access}
    %add3A_194 = arith.constant 6656 : i32
    %add3A_195 = arith.addi %mul3A_2, %add3A_194 : i32
    %dma_start3A_196 = arith.constant 6656 : i32
    %dma_start3A_197 = tpu.memref_slice %arg24[%dma_start3A_196] : memref<9984xf32, #tpu.memory_space<vmem>> -> memref<3328xf32, #tpu.memory_space<vmem>>
    %dma_start3A_198 = tpu.memref_slice %arg12[%add3A_195] : memref<320000xf32, #tpu.memory_space<hbm>> -> memref<3328xf32, #tpu.memory_space<hbm>>
    %dma_start3A_199 = tpu.memref_slice %arg12[%add3A_195] : memref<320000xf32, #tpu.memory_space<hbm>> -> memref<3328xf32, #tpu.memory_space<hbm>>
    %dma_start3A_200 = arith.constant 6656 : i32
    %dma_start3A_201 = tpu.memref_slice %arg24[%dma_start3A_200] : memref<9984xf32, #tpu.memory_space<vmem>> -> memref<3328xf32, #tpu.memory_space<vmem>>
    tpu.enqueue_dma source(%dma_start3A_201 : memref<3328xf32, #tpu.memory_space<vmem>>) target(%dma_start3A_199 : memref<3328xf32, #tpu.memory_space<hbm>>) target_semaphore(%arg29 : memref<!tpu.dma_semaphore, #tpu.memory_space<semaphore_mem>>)
    %dma_wait3A_202 = arith.constant 0 : i32
    %dma_wait3A_203 = tpu.memref_slice %arg24[%dma_wait3A_202] : memref<9984xf32, #tpu.memory_space<vmem>> -> memref<3328xf32, #tpu.memory_space<vmem>>
    %dma_wait3A_204 = tpu.memref_slice %arg12[%add3A_105] : memref<320000xf32, #tpu.memory_space<hbm>> -> memref<3328xf32, #tpu.memory_space<hbm>>
    %dma_wait3A_205 = tpu.memref_slice %arg12[%add3A_105] : memref<320000xf32, #tpu.memory_space<hbm>> -> memref<3328xf32, #tpu.memory_space<hbm>>
    %dma_wait3A_206 = arith.constant 0 : i32
    %dma_wait3A_207 = tpu.memref_slice %arg24[%dma_wait3A_206] : memref<9984xf32, #tpu.memory_space<vmem>> -> memref<3328xf32, #tpu.memory_space<vmem>>
    tpu.wait_dma2 semaphore(%arg29 : memref<!tpu.dma_semaphore, #tpu.memory_space<semaphore_mem>>) src(%dma_wait3A_207 : memref<3328xf32, #tpu.memory_space<vmem>>) dst(%dma_wait3A_205 : memref<3328xf32, #tpu.memory_space<hbm>>)
    %dma_wait3A_208 = arith.constant 3328 : i32
    %dma_wait3A_209 = tpu.memref_slice %arg24[%dma_wait3A_208] : memref<9984xf32, #tpu.memory_space<vmem>> -> memref<3328xf32, #tpu.memory_space<vmem>>
    %dma_wait3A_210 = tpu.memref_slice %arg12[%add3A_162] : memref<320000xf32, #tpu.memory_space<hbm>> -> memref<3328xf32, #tpu.memory_space<hbm>>
    %dma_wait3A_211 = tpu.memref_slice %arg12[%add3A_162] : memref<320000xf32, #tpu.memory_space<hbm>> -> memref<3328xf32, #tpu.memory_space<hbm>>
    %dma_wait3A_212 = arith.constant 3328 : i32
    %dma_wait3A_213 = tpu.memref_slice %arg24[%dma_wait3A_212] : memref<9984xf32, #tpu.memory_space<vmem>> -> memref<3328xf32, #tpu.memory_space<vmem>>
    tpu.wait_dma2 semaphore(%arg29 : memref<!tpu.dma_semaphore, #tpu.memory_space<semaphore_mem>>) src(%dma_wait3A_213 : memref<3328xf32, #tpu.memory_space<vmem>>) dst(%dma_wait3A_211 : memref<3328xf32, #tpu.memory_space<hbm>>)
    %dma_wait3A_214 = arith.constant 6656 : i32
    %dma_wait3A_215 = tpu.memref_slice %arg24[%dma_wait3A_214] : memref<9984xf32, #tpu.memory_space<vmem>> -> memref<3328xf32, #tpu.memory_space<vmem>>
    %dma_wait3A_216 = tpu.memref_slice %arg12[%add3A_195] : memref<320000xf32, #tpu.memory_space<hbm>> -> memref<3328xf32, #tpu.memory_space<hbm>>
    %dma_wait3A_217 = tpu.memref_slice %arg12[%add3A_195] : memref<320000xf32, #tpu.memory_space<hbm>> -> memref<3328xf32, #tpu.memory_space<hbm>>
    %dma_wait3A_218 = arith.constant 6656 : i32
    %dma_wait3A_219 = tpu.memref_slice %arg24[%dma_wait3A_218] : memref<9984xf32, #tpu.memory_space<vmem>> -> memref<3328xf32, #tpu.memory_space<vmem>>
    tpu.wait_dma2 semaphore(%arg29 : memref<!tpu.dma_semaphore, #tpu.memory_space<semaphore_mem>>) src(%dma_wait3A_219 : memref<3328xf32, #tpu.memory_space<vmem>>) dst(%dma_wait3A_217 : memref<3328xf32, #tpu.memory_space<hbm>>)
    %eq3A = arith.constant 0 : i32
    %eq3A_220 = arith.cmpi eq, %add3A, %eq3A : i32
    %convert_element_type3A = arith.extui %eq3A_220 : i1 to i32
    %cond3A = arith.constant 0 : i32
    %cond3A_221 = arith.cmpi ne, %convert_element_type3A, %cond3A : i32
    scf.if %cond3A_221 {
      %dma_start3A_222 = arith.constant 0 : i32
      %dma_start3A_223 = arith.constant 0 : i32
      %dma_start3A_224 = tpu.memref_slice %arg13[%dma_start3A_222, %dma_start3A_223] : memref<2x6656xi32, #tpu.memory_space<vmem>> -> memref<2x512xi32, #tpu.memory_space<vmem>>
      %dma_start3A_225 = arith.constant 0 : i32
      %dma_start3A_226 = arith.constant 319488 : i32
      %dma_start3A_227 = tpu.memref_slice %arg2[%dma_start3A_225, %dma_start3A_226] : memref<2x320000xi32, #tpu.memory_space<hbm>> -> memref<2x512xi32, #tpu.memory_space<hbm>>
      %dma_start3A_228 = arith.constant 0 : i32
      %dma_start3A_229 = arith.constant 0 : i32
      %dma_start3A_230 = tpu.memref_slice %arg13[%dma_start3A_228, %dma_start3A_229] : memref<2x6656xi32, #tpu.memory_space<vmem>> -> memref<2x512xi32, #tpu.memory_space<vmem>>
      %dma_start3A_231 = arith.constant 0 : i32
      %dma_start3A_232 = arith.constant 319488 : i32
      %dma_start3A_233 = tpu.memref_slice %arg2[%dma_start3A_231, %dma_start3A_232] : memref<2x320000xi32, #tpu.memory_space<hbm>> -> memref<2x512xi32, #tpu.memory_space<hbm>>
      tpu.enqueue_dma source(%dma_start3A_233 : memref<2x512xi32, #tpu.memory_space<hbm>>) target(%dma_start3A_230 : memref<2x512xi32, #tpu.memory_space<vmem>>) target_semaphore(%arg25 : memref<!tpu.dma_semaphore, #tpu.memory_space<semaphore_mem>>)
      %dma_start3A_234 = arith.constant 0 : i32
      %dma_start3A_235 = tpu.memref_slice %arg14[%dma_start3A_234] : memref<6656xi32, #tpu.memory_space<vmem>> -> memref<512xi32, #tpu.memory_space<vmem>>
      %dma_start3A_236 = arith.constant 319488 : i32
      %dma_start3A_237 = tpu.memref_slice %arg3[%dma_start3A_236] : memref<320000xi32, #tpu.memory_space<hbm>> -> memref<512xi32, #tpu.memory_space<hbm>>
      %dma_start3A_238 = arith.constant 0 : i32
      %dma_start3A_239 = tpu.memref_slice %arg14[%dma_start3A_238] : memref<6656xi32, #tpu.memory_space<vmem>> -> memref<512xi32, #tpu.memory_space<vmem>>
      %dma_start3A_240 = arith.constant 319488 : i32
      %dma_start3A_241 = tpu.memref_slice %arg3[%dma_start3A_240] : memref<320000xi32, #tpu.memory_space<hbm>> -> memref<512xi32, #tpu.memory_space<hbm>>
      tpu.enqueue_dma source(%dma_start3A_241 : memref<512xi32, #tpu.memory_space<hbm>>) target(%dma_start3A_239 : memref<512xi32, #tpu.memory_space<vmem>>) target_semaphore(%arg25 : memref<!tpu.dma_semaphore, #tpu.memory_space<semaphore_mem>>)
      %dma_start3A_242 = arith.constant 0 : i32
      %dma_start3A_243 = tpu.memref_slice %arg15[%dma_start3A_242] : memref<6656xi32, #tpu.memory_space<vmem>> -> memref<512xi32, #tpu.memory_space<vmem>>
      %dma_start3A_244 = arith.constant 319488 : i32
      %dma_start3A_245 = tpu.memref_slice %arg4[%dma_start3A_244] : memref<320000xi32, #tpu.memory_space<hbm>> -> memref<512xi32, #tpu.memory_space<hbm>>
      %dma_start3A_246 = arith.constant 0 : i32
      %dma_start3A_247 = tpu.memref_slice %arg15[%dma_start3A_246] : memref<6656xi32, #tpu.memory_space<vmem>> -> memref<512xi32, #tpu.memory_space<vmem>>
      %dma_start3A_248 = arith.constant 319488 : i32
      %dma_start3A_249 = tpu.memref_slice %arg4[%dma_start3A_248] : memref<320000xi32, #tpu.memory_space<hbm>> -> memref<512xi32, #tpu.memory_space<hbm>>
      tpu.enqueue_dma source(%dma_start3A_249 : memref<512xi32, #tpu.memory_space<hbm>>) target(%dma_start3A_247 : memref<512xi32, #tpu.memory_space<vmem>>) target_semaphore(%arg25 : memref<!tpu.dma_semaphore, #tpu.memory_space<semaphore_mem>>)
      %dma_wait3A_250 = arith.constant 0 : i32
      %dma_wait3A_251 = arith.constant 0 : i32
      %dma_wait3A_252 = tpu.memref_slice %arg13[%dma_wait3A_250, %dma_wait3A_251] : memref<2x6656xi32, #tpu.memory_space<vmem>> -> memref<2x512xi32, #tpu.memory_space<vmem>>
      %dma_wait3A_253 = arith.constant 0 : i32
      %dma_wait3A_254 = arith.constant 319488 : i32
      %dma_wait3A_255 = tpu.memref_slice %arg2[%dma_wait3A_253, %dma_wait3A_254] : memref<2x320000xi32, #tpu.memory_space<hbm>> -> memref<2x512xi32, #tpu.memory_space<hbm>>
      %dma_wait3A_256 = arith.constant 0 : i32
      %dma_wait3A_257 = arith.constant 0 : i32
      %dma_wait3A_258 = tpu.memref_slice %arg13[%dma_wait3A_256, %dma_wait3A_257] : memref<2x6656xi32, #tpu.memory_space<vmem>> -> memref<2x512xi32, #tpu.memory_space<vmem>>
      %dma_wait3A_259 = arith.constant 0 : i32
      %dma_wait3A_260 = arith.constant 319488 : i32
      %dma_wait3A_261 = tpu.memref_slice %arg2[%dma_wait3A_259, %dma_wait3A_260] : memref<2x320000xi32, #tpu.memory_space<hbm>> -> memref<2x512xi32, #tpu.memory_space<hbm>>
      tpu.wait_dma2 semaphore(%arg25 : memref<!tpu.dma_semaphore, #tpu.memory_space<semaphore_mem>>) src(%dma_wait3A_261 : memref<2x512xi32, #tpu.memory_space<hbm>>) dst(%dma_wait3A_258 : memref<2x512xi32, #tpu.memory_space<vmem>>)
      %dma_wait3A_262 = arith.constant 0 : i32
      %dma_wait3A_263 = tpu.memref_slice %arg14[%dma_wait3A_262] : memref<6656xi32, #tpu.memory_space<vmem>> -> memref<512xi32, #tpu.memory_space<vmem>>
      %dma_wait3A_264 = arith.constant 319488 : i32
      %dma_wait3A_265 = tpu.memref_slice %arg3[%dma_wait3A_264] : memref<320000xi32, #tpu.memory_space<hbm>> -> memref<512xi32, #tpu.memory_space<hbm>>
      %dma_wait3A_266 = arith.constant 0 : i32
      %dma_wait3A_267 = tpu.memref_slice %arg14[%dma_wait3A_266] : memref<6656xi32, #tpu.memory_space<vmem>> -> memref<512xi32, #tpu.memory_space<vmem>>
      %dma_wait3A_268 = arith.constant 319488 : i32
      %dma_wait3A_269 = tpu.memref_slice %arg3[%dma_wait3A_268] : memref<320000xi32, #tpu.memory_space<hbm>> -> memref<512xi32, #tpu.memory_space<hbm>>
      tpu.wait_dma2 semaphore(%arg25 : memref<!tpu.dma_semaphore, #tpu.memory_space<semaphore_mem>>) src(%dma_wait3A_269 : memref<512xi32, #tpu.memory_space<hbm>>) dst(%dma_wait3A_267 : memref<512xi32, #tpu.memory_space<vmem>>)
      %dma_wait3A_270 = arith.constant 0 : i32
      %dma_wait3A_271 = tpu.memref_slice %arg15[%dma_wait3A_270] : memref<6656xi32, #tpu.memory_space<vmem>> -> memref<512xi32, #tpu.memory_space<vmem>>
      %dma_wait3A_272 = arith.constant 319488 : i32
      %dma_wait3A_273 = tpu.memref_slice %arg4[%dma_wait3A_272] : memref<320000xi32, #tpu.memory_space<hbm>> -> memref<512xi32, #tpu.memory_space<hbm>>
      %dma_wait3A_274 = arith.constant 0 : i32
      %dma_wait3A_275 = tpu.memref_slice %arg15[%dma_wait3A_274] : memref<6656xi32, #tpu.memory_space<vmem>> -> memref<512xi32, #tpu.memory_space<vmem>>
      %dma_wait3A_276 = arith.constant 319488 : i32
      %dma_wait3A_277 = tpu.memref_slice %arg4[%dma_wait3A_276] : memref<320000xi32, #tpu.memory_space<hbm>> -> memref<512xi32, #tpu.memory_space<hbm>>
      tpu.wait_dma2 semaphore(%arg25 : memref<!tpu.dma_semaphore, #tpu.memory_space<semaphore_mem>>) src(%dma_wait3A_277 : memref<512xi32, #tpu.memory_space<hbm>>) dst(%dma_wait3A_275 : memref<512xi32, #tpu.memory_space<vmem>>)
      %parallel_loop3A_278 = arith.constant 0 : i32
      %parallel_loop3A_279 = arith.constant 512 : i32
      %parallel_loop3A_280 = arith.constant 16 : i32
      scf.for %parallel_loop3A_281 = %parallel_loop3A_278 to %parallel_loop3A_279 step %parallel_loop3A_280  : i32 {
        %parallel_loop3A_282 = arith.constant 0 : i32
        %parallel_loop3A_283 = arith.addi %parallel_loop3A_282, %parallel_loop3A_281 : i32
        %parallel_loop3A_284 = arith.constant 0 : i32
        %parallel_loop3A_285 = arith.index_cast %parallel_loop3A_284 : i32 to index
        %parallel_loop3A_286 = arith.index_cast %parallel_loop3A_283 : i32 to index
        %parallel_loop3A_287 = tpu.vector_load %arg13[%parallel_loop3A_285, %parallel_loop3A_286] {strides = array<i32>} : memref<2x6656xi32, #tpu.memory_space<vmem>>, vector<16xi32>,
        %parallel_loop3A_288 = arith.constant 0 : i32
        %parallel_loop3A_289 = arith.addi %parallel_loop3A_288, %parallel_loop3A_281 : i32
        %parallel_loop3A_290 = arith.constant 1 : i32
        %parallel_loop3A_291 = arith.index_cast %parallel_loop3A_290 : i32 to index
        %parallel_loop3A_292 = arith.index_cast %parallel_loop3A_289 : i32 to index
        %parallel_loop3A_293 = tpu.vector_load %arg13[%parallel_loop3A_291, %parallel_loop3A_292] {strides = array<i32>} : memref<2x6656xi32, #tpu.memory_space<vmem>>, vector<16xi32>,
        %parallel_loop3A_294 = arith.constant 0 : i32
        %parallel_loop3A_295 = arith.addi %parallel_loop3A_294, %parallel_loop3A_281 : i32
        %parallel_loop3A_296 = arith.index_cast %parallel_loop3A_295 : i32 to index
        %parallel_loop3A_297 = tpu.vector_load %arg14[%parallel_loop3A_296] {strides = array<i32>} : memref<6656xi32, #tpu.memory_space<vmem>>, vector<16xi32>,
        %parallel_loop3A_298 = arith.constant 0 : i32
        %parallel_loop3A_299 = arith.addi %parallel_loop3A_298, %parallel_loop3A_281 : i32
        %parallel_loop3A_300 = arith.index_cast %parallel_loop3A_299 : i32 to index
        %parallel_loop3A_301 = tpu.vector_load %arg15[%parallel_loop3A_300] {strides = array<i32>} : memref<6656xi32, #tpu.memory_space<vmem>>, vector<16xi32>,
        %parallel_loop3A_302 = tpu.vector_load_idx %arg16[%parallel_loop3A_287] : memref<10000xf32, #tpu.memory_space<vmem>>[vector<16xi32>], vector<16xf32>,
        %parallel_loop3A_303 = tpu.vector_load_idx %arg17[%parallel_loop3A_293] : memref<10000xf32, #tpu.memory_space<vmem>>[vector<16xi32>], vector<16xf32>,
        %parallel_loop3A_304 = arith.addf %parallel_loop3A_302, %parallel_loop3A_303 : vector<16xf32>
        %parallel_loop3A_305 = tpu.vector_load_idx %arg19[%parallel_loop3A_297] : memref<256xf32, #tpu.memory_space<vmem>>[vector<16xi32>], vector<16xf32>,
        %parallel_loop3A_306 = arith.addf %parallel_loop3A_304, %parallel_loop3A_305 : vector<16xf32>
        %parallel_loop3A_307 = tpu.vector_load_idx %arg23[%parallel_loop3A_301] : memref<64xf32, #tpu.memory_space<vmem>>[vector<16xi32>], vector<16xf32>,
        %parallel_loop3A_308 = arith.addf %parallel_loop3A_306, %parallel_loop3A_307 : vector<16xf32>
        %parallel_loop3A_309 = arith.constant 0 : i32
        %parallel_loop3A_310 = arith.addi %parallel_loop3A_309, %parallel_loop3A_281 : i32
        %parallel_loop3A_311 = arith.index_cast %parallel_loop3A_310 : i32 to index
        %parallel_loop3A_312 = tpu.vector_load %arg24[%parallel_loop3A_311] {strides = array<i32>} : memref<9984xf32, #tpu.memory_space<vmem>>, vector<16xf32>,
        tpu.vector_store %arg24[%parallel_loop3A_311], %parallel_loop3A_308 {strides = array<i32>} : memref<9984xf32, #tpu.memory_space<vmem>>, vector<16xf32>,
      } {sc.loop_unroll_factor = 16 : i64, sc.parallel_access}
      "tpu.region"() ({
        %run_scoped3A = tpu.sem_alloc : memref<!tpu.dma_semaphore, #tpu.memory_space<semaphore_mem>>
        %dma_start3A_281 = arith.constant 0 : i32
        %dma_start3A_282 = tpu.memref_slice %arg24[%dma_start3A_281] : memref<9984xf32, #tpu.memory_space<vmem>> -> memref<512xf32, #tpu.memory_space<vmem>>
        %dma_start3A_283 = arith.constant 319488 : i32
        %dma_start3A_284 = tpu.memref_slice %arg12[%dma_start3A_283] : memref<320000xf32, #tpu.memory_space<hbm>> -> memref<512xf32, #tpu.memory_space<hbm>>
        %dma_start3A_285 = arith.constant 319488 : i32
        %dma_start3A_286 = tpu.memref_slice %arg12[%dma_start3A_285] : memref<320000xf32, #tpu.memory_space<hbm>> -> memref<512xf32, #tpu.memory_space<hbm>>
        %dma_start3A_287 = arith.constant 0 : i32
        %dma_start3A_288 = tpu.memref_slice %arg24[%dma_start3A_287] : memref<9984xf32, #tpu.memory_space<vmem>> -> memref<512xf32, #tpu.memory_space<vmem>>
        tpu.enqueue_dma source(%dma_start3A_288 : memref<512xf32, #tpu.memory_space<vmem>>) target(%dma_start3A_286 : memref<512xf32, #tpu.memory_space<hbm>>) target_semaphore(%run_scoped3A : memref<!tpu.dma_semaphore, #tpu.memory_space<semaphore_mem>>)
        %dma_wait3A_289 = arith.constant 0 : i32
        %dma_wait3A_290 = tpu.memref_slice %arg24[%dma_wait3A_289] : memref<9984xf32, #tpu.memory_space<vmem>> -> memref<512xf32, #tpu.memory_space<vmem>>
        %dma_wait3A_291 = arith.constant 319488 : i32
        %dma_wait3A_292 = tpu.memref_slice %arg12[%dma_wait3A_291] : memref<320000xf32, #tpu.memory_space<hbm>> -> memref<512xf32, #tpu.memory_space<hbm>>
        %dma_wait3A_293 = arith.constant 319488 : i32
        %dma_wait3A_294 = tpu.memref_slice %arg12[%dma_wait3A_293] : memref<320000xf32, #tpu.memory_space<hbm>> -> memref<512xf32, #tpu.memory_space<hbm>>
        %dma_wait3A_295 = arith.constant 0 : i32
        %dma_wait3A_296 = tpu.memref_slice %arg24[%dma_wait3A_295] : memref<9984xf32, #tpu.memory_space<vmem>> -> memref<512xf32, #tpu.memory_space<vmem>>
        tpu.wait_dma2 semaphore(%run_scoped3A : memref<!tpu.dma_semaphore, #tpu.memory_space<semaphore_mem>>) src(%dma_wait3A_296 : memref<512xf32, #tpu.memory_space<vmem>>) dst(%dma_wait3A_294 : memref<512xf32, #tpu.memory_space<hbm>>)
        tpu.yield
      }) : () -> ()
    } else {
    }
    return
  }
}

module attributes {stable_mosaic.version = 14 : i64} {
  func.func @body(%arg0: memref<10000x128xf32, #tpu.memory_space<vmem>>, %arg1: memref<256x128xf32, #tpu.memory_space<vmem>>, %arg2: memref<1x640xf32, #tpu.memory_space<vmem>>, %arg3: memref<1xf32, #tpu.memory_space<vmem>>, %arg4: memref<10000xf32, #tpu.memory_space<vmem>>, %arg5: memref<10000xf32, #tpu.memory_space<vmem>>, %arg6: memref<10000xf32, #tpu.memory_space<vmem>>, %arg7: memref<256xf32, #tpu.memory_space<vmem>>, %arg8: memref<256xf32, #tpu.memory_space<vmem>>) attributes {dimension_semantics = [], scalar_prefetch = 0 : i64, scratch_operands = 0 : i64, tpu.core_type = #tpu.core_type<tc>} {
    %get3A = arith.constant 0 : index
    %get3A_0 = arith.constant 0 : index
    %get3A_1 = vector.load %arg2[%get3A, %get3A_0] : memref<1x640xf32, #tpu.memory_space<vmem>>, vector<1x640xf32>
    %reshape3A = vector.shape_cast %get3A_1 : vector<1x640xf32> to vector<5x128xf32>
    %get3A_2 = arith.constant 0 : index
    %get3A_3 = arith.constant 0 : index
    %get3A_4 = vector.load %arg0[%get3A_2, %get3A_3] : memref<10000x128xf32, #tpu.memory_space<vmem>>, vector<10000x128xf32>
    %dot_general3A = arith.constant dense<0.000000e+00> : vector<5x10000xf32>
    %dot_general3A_5 = tpu.matmul %reshape3A, %get3A_4, %dot_general3A {dimension_numbers = #tpu.dot_dimension_numbers<[1], [1], [0], [0], [0, 0, 1, 0], [], []>, transpose_lhs_hint = false} : vector<5x128xf32>, vector<10000x128xf32>, vector<5x10000xf32> -> vector<5x10000xf32>
    %get3A_6 = arith.constant 0 : index
    %get3A_7 = arith.constant 0 : index
    %get3A_8 = vector.load %arg1[%get3A_6, %get3A_7] : memref<256x128xf32, #tpu.memory_space<vmem>>, vector<256x128xf32>
    %dot_general3A_9 = arith.constant dense<0.000000e+00> : vector<5x256xf32>
    %dot_general3A_10 = tpu.matmul %reshape3A, %get3A_8, %dot_general3A_9 {dimension_numbers = #tpu.dot_dimension_numbers<[1], [1], [0], [0], [0, 0, 1, 0], [], []>, transpose_lhs_hint = false} : vector<5x128xf32>, vector<256x128xf32>, vector<5x256xf32> -> vector<5x256xf32>
    %slice3A = vector.extract_strided_slice %dot_general3A_5 {offsets = [0, 0], sizes = [1, 10000], strides = [1, 1]} : vector<5x10000xf32> to vector<1x10000xf32>
    %squeeze3A = vector.shape_cast %slice3A : vector<1x10000xf32> to vector<10000xf32>
    %swap3A = arith.constant 0 : index
    %swap3A_11 = vector.load %arg4[%swap3A] : memref<10000xf32, #tpu.memory_space<vmem>>, vector<10000xf32>
    tpu.vector_store %arg4[%swap3A], %squeeze3A {strides = array<i32>} : memref<10000xf32, #tpu.memory_space<vmem>>, vector<10000xf32>,
    %slice3A_12 = vector.extract_strided_slice %dot_general3A_5 {offsets = [1, 0], sizes = [1, 10000], strides = [1, 1]} : vector<5x10000xf32> to vector<1x10000xf32>
    %squeeze3A_13 = vector.shape_cast %slice3A_12 : vector<1x10000xf32> to vector<10000xf32>
    %swap3A_14 = arith.constant 0 : index
    %swap3A_15 = vector.load %arg5[%swap3A_14] : memref<10000xf32, #tpu.memory_space<vmem>>, vector<10000xf32>
    tpu.vector_store %arg5[%swap3A_14], %squeeze3A_13 {strides = array<i32>} : memref<10000xf32, #tpu.memory_space<vmem>>, vector<10000xf32>,
    %slice3A_16 = vector.extract_strided_slice %dot_general3A_5 {offsets = [3, 0], sizes = [1, 10000], strides = [1, 1]} : vector<5x10000xf32> to vector<1x10000xf32>
    %squeeze3A_17 = vector.shape_cast %slice3A_16 : vector<1x10000xf32> to vector<10000xf32>
    %swap3A_18 = arith.constant 0 : index
    %swap3A_19 = vector.load %arg6[%swap3A_18] : memref<10000xf32, #tpu.memory_space<vmem>>, vector<10000xf32>
    tpu.vector_store %arg6[%swap3A_18], %squeeze3A_17 {strides = array<i32>} : memref<10000xf32, #tpu.memory_space<vmem>>, vector<10000xf32>,
    %slice3A_20 = vector.extract_strided_slice %dot_general3A_10 {offsets = [2, 0], sizes = [1, 256], strides = [1, 1]} : vector<5x256xf32> to vector<1x256xf32>
    %squeeze3A_21 = vector.shape_cast %slice3A_20 : vector<1x256xf32> to vector<256xf32>
    %swap3A_22 = arith.constant 0 : index
    %swap3A_23 = vector.load %arg7[%swap3A_22] : memref<256xf32, #tpu.memory_space<vmem>>, vector<256xf32>
    tpu.vector_store %arg7[%swap3A_22], %squeeze3A_21 {strides = array<i32>} : memref<256xf32, #tpu.memory_space<vmem>>, vector<256xf32>,
    %slice3A_24 = vector.extract_strided_slice %dot_general3A_10 {offsets = [4, 0], sizes = [1, 256], strides = [1, 1]} : vector<5x256xf32> to vector<1x256xf32>
    %squeeze3A_25 = vector.shape_cast %slice3A_24 : vector<1x256xf32> to vector<256xf32>
    %get3A_26 = arith.constant 0 : index
    %get3A_27 = vector.load %arg3[%get3A_26] : memref<1xf32, #tpu.memory_space<vmem>>, vector<1xf32>
    %get3A_28 = vector.extract %get3A_27[0] : f32 from vector<1xf32>
    %add3A = vector.broadcast %get3A_28 : f32 to vector<256xf32>
    %add3A_29 = arith.addf %squeeze3A_25, %add3A : vector<256xf32>
    %swap3A_30 = arith.constant 0 : index
    %swap3A_31 = vector.load %arg8[%swap3A_30] : memref<256xf32, #tpu.memory_space<vmem>>, vector<256xf32>
    tpu.vector_store %arg8[%swap3A_30], %add3A_29 {strides = array<i32>} : memref<256xf32, #tpu.memory_space<vmem>>, vector<256xf32>,
    return
  }
}

</mosaic_0001>

<sc_bundles>
// kernel: kernel.4.cloned.1.call-start
scs
__scs_entry_jumppad:
0x0: {  	(pc) =	sbr.rel $0x88, $3  }
0x1: {  	(tag) =	ssettag $0x0;
	lr =	simm.s32 $0x1  }
0x2: {  	[smem:$0x3F98] =	sst lr;
	_ =	strace $0xD0000000  }
0x3: {  	_ = 	snop  }
0x4: {  	_ = 	snop  }
0x5: {  	_ = 	snop  }
0x6: {  	_ = 	snop  }
0x7: {  	_ = 	snop  }
__scs_overlays_trampoline_lowered:
0x8: {  	[smem:$0x3FA7] =	sst s0  }
0x9: {  	[smem:$0x3FA8] =	sst s1  }
0xa: {  	[smem:$0x3FA9] =	sst s2  }
0xb: {  	[smem:$0x3FAA] =	sst s3  }
0xc: {  	[smem:$0x3FAB] =	sst s4  }
0xd: {  	[smem:$0x3FAC] =	sst s5  }
0xe: {  	[smem:$0x3FAD] =	sst s6  }
0xf: {  	[smem:$0x3FAE] =	sst s7  }
0x10: {  	[smem:$0x3FAF] =	sst s8  }
0x11: {  	[smem:$0x3FB0] =	sst s9;
	s0 =	simm.s32 @!p0 $0x0  }
0x12: {  	s1 =	sld [smem:$0x3F96];
	s0 =	simm.s32 @p0 $0x1  }
0x13: {  	[smem:$0x3FB1] =	sst s0;
	s0 =	simm.s32 @!p1 $0x0  }
0x14: {  	s2 =	sld [smem:$0x3F95];
	s0 =	simm.s32 @p1 $0x1  }
0x15: {  	[smem:$0x3FB2] =	sst s0;
	s0 =	simm.s32 @!p2 $0x0  }
0x16: {  	s3 =	sld [smem:$0x3FDB];
	s0 =	simm.s32 @p2 $0x1  }
0x17: {  	s4 =	simm.s32 $0x1BF5;
	[smem:$0x3FB4] =	sst s0  }
0x18: {  	s0 =	sld [smem:$0x3F97];
	_ =	swait.ge [sflag:s4], $0x0  }
0x19: {  	s7 =	sld [smem:$0x3F98]  }
0x1a: {  	s8 =	sadd.s32 $0xFFFFE003, lr  }
0x1b: {  	s9 =	sadd.s32 $0xFFFFFEF7, lr;
	s5 =	simm.s32 $0xFFFFFFFF;
	p2 =	slt.u32 s8, $0xFFFFF086  }
0x1c: {  	p1 =	slt.u32 s9, $0xF7A;
	s5 =	simm.s32 @!p2 $0x0  }
0x1d: {  	s5 =	simm.s32 @p1 $0x1;
	p0 =	seq.s32 s7, s2  }
0x1e: {  	s7 =	smul.u32 @!p0 $0xF7A, s2;
	p2 =	seq.s32 @!p0 s5, $0x0  }
0x1f: {  	s9 =	smul.u32 $0xF7A, s1;
	s8 =	simm.s32 @!p0 $0x1BF5;
	p2 =	por !p2, p0  }
0x20: {  	[sflag:s8] =	ssyncset.s32 @!p0 $0xFFFFF086;
	s6 =	sadd.s32 @!p0 s3, s7;
	s7 =	simm.s32 @!p0 $0x108  }
0x21: {  	s3 =	sadd.s32 s3, s9;
	s6 =	sadd.s32 @!p0 $0x88, s6;
	s7 =	simm.s32 @p2 $0x1082  }
0x22: {  	[simem:s7], [sflag:s8] =	dma.local @!p0 [hbm:s6], $0xF7A  }
0x23: {  	s9 =	sor.u32 $0xD0000000, s2;
	s6 =	simm.s32 $0x108;
	_ =	swait.ge @!p0 [sflag:s8], $0x0  }
0x24: {  	s3 =	sadd.s32 $0x88, s3;
	s6 =	simm.s32 @!p1 $0x1082;
	[sflag:s4] =	ssyncset.s32 $0xFFFFF086  }
0x25: {  	[simem:s6], [sflag:s4] =	dma.local [hbm:s3], $0xF7A  }
0x26: {  	[smem:$0x3F98] =	sst s1;
	(tag) =	ssettag s2;
	_ =	strace s9  }
0x27: {  	s1 =	sld [smem:$0x3FA8]  }
0x28: {  	s2 =	sld [smem:$0x3FA9]  }
0x29: {  	s4 =	sld [smem:$0x3FAB]  }
0x2a: {  	p0 =	seq.s32 s5, $0x0;
	s5 =	sld [smem:$0x3FAC]  }
0x2b: {  	s6 =	sld [smem:$0x3FAD]  }
0x2c: {  	s7 =	sld [smem:$0x3FAE]  }
0x2d: {  	s3 =	simm.s32 $0x108;
	s8 =	sld [smem:$0x3FAF]  }
0x2e: {  	s3 =	simm.s32 @!p0 $0x1082;
	s9 =	sld [smem:$0x3FB0]  }
0x2f: {  	lr =	sadd.s32 s0, s3;
	s0 =	sld [smem:$0x3FA7]  }
0x30: {  	s3 =	sld [smem:$0x3FAA]  }
0x31: {  	[smem:$0x3FB3] =	sst s10  }
0x32: {  	s10 =	sld [smem:$0x3FB1];
	_ =	sdelay $0x3  }
0x33: {  	p0 =	seq.s32 s10, $0x1;
	s10 =	sld [smem:$0x3FB3];
	_ =	sdelay $0x3  }
0x34: {  	[smem:$0x3FB3] =	sst s10  }
0x35: {  	s10 =	sld [smem:$0x3FB2];
	_ =	sdelay $0x3  }
0x36: {  	p1 =	seq.s32 s10, $0x1;
	s10 =	sld [smem:$0x3FB3];
	_ =	sdelay $0x3  }
0x37: {  	[smem:$0x3FB3] =	sst s10  }
0x38: {  	s10 =	sld [smem:$0x3FB4]  }
0x39: {  	_ = 	snop;
	(pc) =	sbr.ind lr, $3  }
0x3a: {  	_ = 	snop  }
0x3b: {  	_ = 	snop  }
0x3c: {  	p2 =	seq.s32 s10, $0x1;
	s10 =	sld [smem:$0x3FB3]  }
0x3d: {  	_ =	shalt  }
0x3e: {  	_ =	shalt  }
0x3f: {  	_ =	shalt  }
0x40: {  	_ =	shalt  }
0x41: {  	_ =	shalt  }
0x42: {  	_ =	shalt  }
0x43: {  	_ =	shalt  }
0x44: {  	_ =	shalt  }
0x45: {  	_ =	shalt  }
0x46: {  	_ =	shalt  }
0x47: {  	_ =	shalt  }
0x48: {  	_ =	shalt  }
0x49: {  	_ =	shalt  }
0x4a: {  	_ =	shalt  }
0x4b: {  	_ =	shalt  }
0x4c: {  	_ =	shalt  }
0x4d: {  	_ =	shalt  }
0x4e: {  	_ =	shalt  }
0x4f: {  	_ =	shalt  }
0x50: {  	_ =	shalt  }
0x51: {  	_ =	shalt  }
0x52: {  	_ =	shalt  }
0x53: {  	_ =	shalt  }
0x54: {  	_ =	shalt  }
0x55: {  	_ =	shalt  }
0x56: {  	_ =	shalt  }
0x57: {  	_ =	shalt  }
0x58: {  	_ =	shalt  }
0x59: {  	_ =	shalt  }
0x5a: {  	_ =	shalt  }
0x5b: {  	_ =	shalt  }
0x5c: {  	_ =	shalt  }
0x5d: {  	_ =	shalt  }
0x5e: {  	_ =	shalt  }
0x5f: {  	_ =	shalt  }
0x60: {  	_ =	shalt  }
0x61: {  	_ =	shalt  }
0x62: {  	_ =	shalt  }
0x63: {  	_ =	shalt  }
0x64: {  	_ =	shalt  }
0x65: {  	_ =	shalt  }
0x66: {  	_ =	shalt  }
0x67: {  	_ =	shalt  }
0x68: {  	_ =	shalt  }
0x69: {  	_ =	shalt  }
0x6a: {  	_ =	shalt  }
0x6b: {  	_ =	shalt  }
0x6c: {  	_ =	shalt  }
0x6d: {  	_ =	shalt  }
0x6e: {  	_ =	shalt  }
0x6f: {  	_ =	shalt  }
0x70: {  	_ =	shalt  }
0x71: {  	_ =	shalt  }
0x72: {  	_ =	shalt  }
0x73: {  	_ =	shalt  }
0x74: {  	_ =	shalt  }
0x75: {  	_ =	shalt  }
0x76: {  	_ =	shalt  }
0x77: {  	_ =	shalt  }
0x78: {  	_ =	shalt  }
0x79: {  	_ =	shalt  }
0x7a: {  	_ =	shalt  }
0x7b: {  	_ =	shalt  }
0x7c: {  	_ =	shalt  }
0x7d: {  	_ =	shalt  }
0x7e: {  	_ =	shalt  }
0x7f: {  	_ =	shalt  }
0x80: {  	_ =	shalt  }
0x81: {  	_ =	shalt  }
0x82: {  	_ =	shalt  }
0x83: {  	_ =	shalt  }
0x84: {  	_ =	shalt  }
0x85: {  	_ =	shalt  }
0x86: {  	_ =	shalt  }
0x87: {  	_ =	shalt  }
.Lfunc_end0:
.L_simem_size_0:
called_computation_lowered:
.L_overlay_start_0:
0x88: {  	s2 =	sld [smem:$0x3FD9]  }
0x89: {  	s3 =	sld [smem:$0x3FFE];
	_ =	sdelay $0x1  }
0x8a: {  	s1 =	srdreg.scid  }
0x8b: {  	s0 =	sand.u32 $0x1, s1  }
0x8c: {  	s17 =	sshll.u32 s0, $0xA;
	s2 =	sadd.s32 s3, s2  }
0x8d: {  	s2 =	sadd.s32 s2, s17  }
0x8e: {  	[smem:$0x3FBF] =	sst s2  }
0x8f: {  	_ = 	snop  }
0x90: {  	s2 =	sld [smem:$0x3FC9]  }
0x91: {  	s18 =	sld [smem:$0x3FC8]  }
0x92: {  	s4 =	sld [smem:$0x3FC7]  }
0x93: {  	s5 =	sld [smem:$0x3FC6]  }
0x94: {  	s6 =	sld [smem:$0x3FC5]  }
0x95: {  	s7 =	sld [smem:$0x3FD0];
	(tm) =	ssettm $0x1  }
0x96: {  	s8 =	sld [smem:$0x3FFB];
	_ =	sdelay $0x3  }
0x97: {  	_ =	strace s8  }
0x98: {  	s8 =	sld [smem:$0x3FFC];
	_ =	sdelay $0x3  }
0x99: {  	_ =	strace s8  }
0x9a: {  	s8 =	sld [smem:$0x3FFD];
	_ =	sdelay $0x3  }
0x9b: {  	_ =	strace s8  }
0x9c: {  	_ =	strace $0x8FFFFFFF  }
0x9d: {  	s19 =	sld [smem:$0x3FDB];
	_ =	sdelay $0x1  }
0x9e: {  	s9 =	simm.s32 $_scs_section_size  }
0x9f: {  	s10 =	simm.s32 $_size__tile_overlayer_lowered;
	s11 =	simm.s32 $_tile_overlayer_lowered  }
0xa0: {  	s22 =	simm.s32 $0x1BFF;
	s21 =	sshll.u32 s11, $0x1;
	s8 =	sadd.s32 s9, s19  }
0xa1: {  	s12 =	simm.s32 $0x0;
	s20 =	sshll.u32 s10, $0x1;
	s10 =	sadd.s32 s21, s8  }
0xa2: {  	[timem:s12], [sflag:s22] =	dma.local [hbm:s10], s20  }
0xa3: {  	_ =	swait.ge [sflag:s22], s20  }
0xa4: {  	s9 =	ssub.s32 $0x0, s20;
	[sflag:s22] =	ssyncset.done $0x0  }
0xa5: {  	[sflag:s22] =	ssyncadd.s32 s9;
	_ =	sdelay $0x1  }
0xa6: {  	s23 =	simm.s32 $0x1B8B  }
0xa7: {  	_ =	swait.ge [sflag:s23], $0x1  }
0xa8: {  	[sflag:s23] =	ssyncset.done $0x0  }
0xa9: {  	s25 =	simm.s32 $0x1B8E;
	s24 =	sld [smem:$0x3FFE];
	[sflag:s23] =	ssyncadd.s32 $0xFFFFFFFF  }
0xaa: {  	s26 =	simm.s32 $execute0_lowered;
	[smem:$0x3FD2] =	sst s25  }
0xab: {  	s10 =	sshll.u32 s26, $0x1;
	_ =	strace $0x80000046;
	[dreg:$0x1] =	wrdreg $0xFFFFFFFF  }
0xac: {  	s28 =	simm.s32 $_size_execute0_lowered;
	s8 =	sadd.s32 s8, s10;
	[dreg:$0x0] =	wrdreg $0x0  }
0xad: {  	s10 =	sshll.u32 s28, $0x1;
	[dreg:$0x2] =	wrdreg s8  }
0xae: {  	[dreg:$0x3] =	wrdreg s10  }
0xaf: {  	[dreg:$0x4] =	wrdreg $0xC0  }
0xb0: {  	_ =	task [dreg:s12], $0x5FFFF  }
0xb1: {  	[dreg:$0x1] =	wrdreg $0xFFFFFFFF  }
0xb2: {  	[dreg:$0x0] =	wrdreg $0x60  }
0xb3: {  	[dreg:$0x2] =	wrdreg s2  }
0xb4: {  	[dreg:$0x3] =	wrdreg s18  }
0xb5: {  	[dreg:$0x4] =	wrdreg s4  }
0xb6: {  	[dreg:$0x5] =	wrdreg s5  }
0xb7: {  	[dreg:$0x6] =	wrdreg s6  }
0xb8: {  	[dreg:$0x7] =	wrdreg s7  }
0xb9: {  	[dreg:$0x8] =	wrdreg s24  }
0xba: {  	[dreg:$0x9] =	wrdreg $0x9  }
0xbb: {  	_ =	task.clear_ibuf [dreg:s12], $0xAFFFF;
	_ =	strace $0x90000046  }
0xbc: {  	s29 =	simm.s32 $0x9;
	_ =	strace $0x80000048  }
0xbd: {  	_ =	swait.ge [sflag:s29], $0x1  }
0xbe: {  	[sflag:s29] =	ssyncadd.s32 $0xFFFFFFFF  }
0xbf: {  	_ =	strace $0x90000048  }
0xc0: {  	_ =	sfence  }
0xc1: {  	s30 =	sld [smem:$0x0];
	_ =	sdelay $0x2  }
0xc2: {  	s31 =	sshll.u32 s1, $0xD;
	s1 =	sshrl.u32 s1, $0x2  }
0xc3: {  	s3 =	sand.u32 $0x4000, s31;
	s1 =	sadd.s32 s1, s30  }
0xc4: {  	s0 =	sor.u32 s3, s0;
	s1 =	sshll.u32 s1, $0x11  }
0xc5: {  	s0 =	sor.u32 s1, s0  }
0xc6: {  	s0 =	sadd.s32 $0x8F2B, s0  }
0xc7: {  	[sflag:s0] =	ssyncadd.remote.s32 $0x1  }
0xc8: {  	_ =	sfence.sel $0xFFFF  }
0xc9: {  	[dreg:$0x0] =	wrdreg $0xFFFFFFFF;
	(pc) =	sbr.abs _section_cstart, $3  }
0xca: {  	[dreg:$0x1] =	wrdreg $0xFFFFFFFF  }
0xcb: {  	_ =	task.clear_ibuf [dreg:s12], $0x2FFFF;
	_ =	strace $0x9FFFFFFF  }
0xcc: {  	(tm) =	ssettm $0x7FFFFFFF  }
0xcd: {  	_ =	shalt  }
tec
execute0_lowered:
.L_overlay_start_1:
0x0: {  	(tag) =	ssettag $0x1  }
0x1: {  	s0 =	rddreg [dreg:$0x0]  }
0x2: {  	s1 =	rddreg [dreg:$0x1]  }
0x3: {  	s2 =	rddreg [dreg:$0x2]  }
0x4: {  	s3 =	rddreg [dreg:$0x6];
	s5 =	simm.s32 $0x0;
	s4 =	srdreg.scid  }
0x5: {  	s6 =	stileid.u32;
	s28 =	simm.s32 $0x3400;
	s29 =	simm.s32 $0x4E00  }
0x6: {  	s30 =	simm.s32 $0xB700;
	s31 =	simm.s32 $0xDF80;
	[smem:$0x7FF] =	sst s5  }
0x7: {  	s4 =	sand.u32 $0x1, s4;
	s6 =	sshll.u32 s6, $0x1;
	s7 =	sadd.s32 $0x1600, s3  }
0x8: {  	s16 =	sadd.s32 $0x1C00, s3;
	_ =	strace $0x80000047;
	[dreg:$0x8] =	wrdreg s7  }
0x9: {  	s8 =	sadd.s32 $0x2200, s3;
	s10 =	sadd.s32 $0x2600, s3;
	[dreg:$0x9] =	wrdreg s16  }
0xa: {  	s24 =	sadd.s32 $0x9C00, s1;
	s25 =	sadd.s32 $0x9C00, s2;
	[dreg:$0xa] =	wrdreg s8  }
0xb: {  	s26 =	sadd.s32 $0xC200, s3;
	s6 =	sor.u32 s4, s6;
	[dreg:$0xf] =	wrdreg s24  }
0xc: {  	s4 =	ssub.s32 $0x2, s4;
	[dreg:$0x10] =	wrdreg s25;
	s24 =	sadd.s32 $0x2400, s3  }
0xd: {  	[dreg:$0x11] =	wrdreg s26;
	s25 =	simm.s32 $0x3;
	s17 =	smul.u32 $0x2700, s6  }
0xe: {  	s3 =	simm.s32 $0x5;
	s18 =	sshrl.u32 s4, $0x1;
	s9 =	smul.u32 $0x9C0, s6  }
0xf: {  	p0 =	sne.s32 s6, $0x0;
	s6 =	simm.s32 $0x0;
	s4 =	ssub.s32 s4, s18  }
0x10: {  	s19 =	sshrl.u32 s17, $0x3;
	s9 =	sadd.s32 s0, s9;
	s21 =	sadd.s32 $0xD00, s17  }
0x11: {  	s7 =	sadd.s32 $0x1A00, s17;
	s26 =	smax.u32 s4, $0x1;
	s4 =	simm.s32 $0x1  }
0x12: {  	[dreg:$0xb] =	wrdreg s9;
	s20 =	sadd.s32 s1, s19;
	s11 =	sadd.s32 s2, s19  }
0x13: {  	s22 =	sshrl.u32 s21, $0x2;
	s9 =	sshrl.u32 s21, $0x3;
	s15 =	sadd.s32 s10, s19  }
0x14: {  	s23 =	sshrl.u32 s7, $0x2;
	s7 =	sshrl.u32 s7, $0x3;
	[dreg:$0xc] =	wrdreg s20  }
0x15: {  	s21 =	simm.s32 $0x6800;
	[dreg:$0xd] =	wrdreg s11;
	s12 =	sadd.s32 s0, s22  }
.Ltmp0:
0x16: {  	s13 =	sadd.s32 s1, s9;
	s14 =	sadd.s32 s2, s9;
	(pc) =	sbr.rel .LBB2_1-.Ltmp0, $4  }
0x17: {  	s16 =	sadd.s32 s0, s23;
	s17 =	sadd.s32 s1, s7;
	s18 =	sadd.s32 s10, s9  }
0x18: {  	s19 =	sadd.s32 s10, s7;
	s20 =	sadd.s32 s2, s7;
	s0 =	sadd.s32 $0x13800, s0  }
0x19: {  	s22 =	simm.s32 $0x8F80;
	s23 =	simm.s32 $0xDE80;
	s1 =	simm.s32 $0x4  }
0x1a: {  	s2 =	simm.s32 $0xE180;
	[dreg:$0xe] =	wrdreg s0;
	s0 =	simm.s32 $0x2  }
.LBB2_11:
0x1b: {  	s6 =	sadd.s32 $0x1, s6  }
0x1c: {  	p1 =	sne.s32 s6, s26  }
.Ltmp1:
0x1d: {  	_ = 	snop;
	(pc) =	sbr.rel @!p1 .LBB2_12-.Ltmp1, $1  }
0x1e: {  	_ =	sdelay $0x3  }
.LBB2_1:
0x1f: {  	s7 =	rddreg [dreg:$0xb]  }
0x20: {  	[tilespmem:s5], [sflag:$0x1] =	stream.linear.gather [hbm4b:s7+s5], $0x1A00, $0x38;
	[tilespmem:$0x10900] =	vst v63  }
0x21: {  	s8 =	rddreg [dreg:$0xc]  }
0x22: {  	[tilespmem:s28], [sflag:$0x1] =	stream.linear.gather [hbm4b:s8+s5], $0xD00, $0x38;
	[tilespmem:$0x10900] =	vst v63  }
0x23: {  	s9 =	rddreg [dreg:$0xd]  }
0x24: {  	[tilespmem:s29], [sflag:$0x1] =	stream.linear.gather [hbm4b:s9+s5], $0xD00, $0x38;
	[tilespmem:$0x10900] =	vst v63  }
0x25: {  	s10 =	rddreg [dreg:$0x9]  }
0x26: {  	[tilespmem:s30], [sflag:$0x3] =	stream.linear.gather [hbm4b:s10+s5], $0x2780, $0x38;
	[tilespmem:$0x10900] =	vst v63  }
0x27: {  	_ = 	snop  }
0x28: {  	[tilespmem:s31], [sflag:$0x3] =	stream.linear.gather [hbm4b:s24+s5], $0x100, $0x38;
	[tilespmem:$0x10900] =	vst v63  }
0x29: {  	s11 =	rddreg [dreg:$0x3];
	s8 =	simm.s32 $0xE080  }
0x2a: {  	[tilespmem:s8], [sflag:$0x3] =	stream.linear.gather [hbm4b:s11+s5], $0x80, $0x38;
	[tilespmem:$0x10900] =	vst v63  }
0x2b: {  	s9 =	simm.s32 $0xE100;
	s8 =	rddreg [dreg:$0x4]  }
0x2c: {  	[tilespmem:s9], [sflag:$0x3] =	stream.linear.gather [hbm4b:s8+s5], $0x80, $0x38;
	[tilespmem:$0x10900] =	vst v63  }
0x2d: {  	s10 =	rddreg [dreg:$0x5]  }
0x2e: {  	[tilespmem:s21], [sflag:$0x4] =	stream.linear.gather [hbm4b:s10+s5], $0x2780, $0x38;
	[tilespmem:$0x10900] =	vst v63  }
0x2f: {  	s11 =	rddreg [dreg:$0x8]  }
0x30: {  	[tilespmem:s22], [sflag:$0x4] =	stream.linear.gather [hbm4b:s11+s5], $0x2780, $0x38;
	[tilespmem:$0x10900] =	vst v63  }
0x31: {  	s8 =	rddreg [dreg:$0xa]  }
0x32: {  	[tilespmem:s23], [sflag:$0x4] =	stream.linear.gather [hbm4b:s8+s5], $0x100, $0x38;
	[tilespmem:$0x10900] =	vst v63  }
0x33: {  	_ =	swait.ge [sflag:s25], $0x2780  }
0x34: {  	[sflag:s25] =	ssyncset.done $0x0  }
0x35: {  	[sflag:s25] =	ssyncadd.s32 $0xFFFFD880  }
0x36: {  	_ =	swait.ge [sflag:s25], $0x100  }
0x37: {  	[sflag:s25] =	ssyncset.done $0x0  }
0x38: {  	[sflag:s25] =	ssyncadd.s32 $0xFFFFFF00  }
0x39: {  	_ =	swait.ge [sflag:s25], $0x80  }
0x3a: {  	[sflag:s25] =	ssyncset.done $0x0  }
0x3b: {  	[sflag:s25] =	ssyncadd.s32 $0xFFFFFF80  }
0x3c: {  	_ =	swait.ge [sflag:s25], $0x80  }
0x3d: {  	[sflag:s25] =	ssyncset.done $0x0  }
0x3e: {  	[sflag:s25] =	ssyncadd.s32 $0xFFFFFF80  }
0x3f: {  	v0 =	vld [tilespmem:$0xE080]  }
0x40: {  	v1 =	vld [tilespmem:$0xE100];
	_ =	sdelay $0x5  }
0x41: {  	v2 =	vld [tilespmem:$0xE090]  }
0x42: {  	v0 =	vld.idx.msk [tilespmem:v0+s30+$0x0], $0xffff  }
0x43: {  	v1 =	vld.idx.msk [tilespmem:v1+s31+$0x0], $0xffff  }
0x44: {  	v3 =	vld [tilespmem:$0xE110];
	_ =	sdelay $0x3  }
0x45: {  	v0 =	vadd.f32 v1, v0;
	_ =	sdelay $0x1  }
0x46: {  	[tilespmem:$0xE180] =	vst v0  }
0x47: {  	v0 =	vld.idx.msk [tilespmem:v2+s30+$0x0], $0xffff  }
0x48: {  	v1 =	vld.idx.msk [tilespmem:v3+s31+$0x0], $0xffff  }
0x49: {  	v2 =	vld [tilespmem:$0xE0A0]  }
0x4a: {  	v3 =	vld [tilespmem:$0xE120];
	_ =	sdelay $0x3  }
0x4b: {  	v0 =	vadd.f32 v1, v0;
	_ =	sdelay $0x1  }
0x4c: {  	[tilespmem:$0xE190] =	vst v0  }
0x4d: {  	v0 =	vld.idx.msk [tilespmem:v2+s30+$0x0], $0xffff  }
0x4e: {  	v1 =	vld.idx.msk [tilespmem:v3+s31+$0x0], $0xffff  }
0x4f: {  	v2 =	vld [tilespmem:$0xE0B0]  }
0x50: {  	v3 =	vld [tilespmem:$0xE130];
	_ =	sdelay $0x3  }
0x51: {  	v0 =	vadd.f32 v1, v0;
	_ =	sdelay $0x1  }
0x52: {  	[tilespmem:$0xE1A0] =	vst v0  }
0x53: {  	v0 =	vld.idx.msk [tilespmem:v2+s30+$0x0], $0xffff  }
0x54: {  	v1 =	vld.idx.msk [tilespmem:v3+s31+$0x0], $0xffff;
	_ =	sdelay $0x4  }
0x55: {  	v0 =	vadd.f32 v1, v0;
	_ =	sdelay $0x1  }
0x56: {  	[tilespmem:$0xE1B0] =	vst v0  }
0x57: {  	_ =	swait.ge [sflag:s1], $0x2780  }
0x58: {  	[sflag:s1] =	ssyncset.done $0x0  }
0x59: {  	[sflag:s1] =	ssyncadd.s32 $0xFFFFD880  }
0x5a: {  	_ =	swait.ge [sflag:s1], $0x2780  }
0x5b: {  	[sflag:s1] =	ssyncset.done $0x0  }
0x5c: {  	[sflag:s1] =	ssyncadd.s32 $0xFFFFD880  }
0x5d: {  	_ =	swait.ge [sflag:s1], $0x100  }
0x5e: {  	[sflag:s1] =	ssyncset.done $0x0  }
0x5f: {  	s9 =	simm.s32 $0x1A00;
	[sflag:s1] =	ssyncadd.s32 $0xFFFFFF00  }
0x60: {  	[tilespmem:s9], [sflag:$0x2] =	stream.linear.gather [hbm4b:s12+s5], $0x1A00, $0x38;
	[tilespmem:$0x10900] =	vst v63  }
0x61: {  	s10 =	simm.s32 $0x4100  }
0x62: {  	[tilespmem:s10], [sflag:$0x2] =	stream.linear.gather [hbm4b:s13+s5], $0xD00, $0x38;
	[tilespmem:$0x10900] =	vst v63  }
0x63: {  	s11 =	simm.s32 $0x5B00  }
0x64: {  	[tilespmem:s11], [sflag:$0x2] =	stream.linear.gather [hbm4b:s14+s5], $0xD00, $0x38;
	[tilespmem:$0x10900] =	vst v63  }
0x65: {  	_ =	swait.ge [sflag:s4], $0x1A00  }
0x66: {  	[sflag:s4] =	ssyncset.done $0x0  }
0x67: {  	[sflag:s4] =	ssyncadd.s32 $0xFFFFE600  }
0x68: {  	_ =	swait.ge [sflag:s4], $0xD00  }
0x69: {  	[sflag:s4] =	ssyncset.done $0x0  }
0x6a: {  	[sflag:s4] =	ssyncadd.s32 $0xFFFFF300  }
0x6b: {  	_ =	swait.ge [sflag:s4], $0xD00  }
0x6c: {  	[sflag:s4] =	ssyncset.done $0x0  }
0x6d: {  	s9 =	simm.s32 $0x100;
	[sflag:s4] =	ssyncadd.s32 $0xFFFFF300  }
0x6e: {  	v0 =	vld [tilespmem:s9+$0x70]  }
0x6f: {  	v1 =	vld [tilespmem:s9+$0xF0]  }
0x70: {  	s7 =	simm.s32 $0x3480;
	v2 =	vld [tilespmem:s9+$0xFFFFFF80]  }
0x71: {  	v3 =	vld [tilespmem:s7+$0x70]  }
0x72: {  	s8 =	simm.s32 $0x4E80;
	v4 =	vld [tilespmem:s9+$0xFFFFFF10]  }
0x73: {  	v5 =	vld [tilespmem:s8+$0x70]  }
0x74: {  	v6 =	vld [tilespmem:s9+$0xFFFFFF90]  }
0x75: {  	v7 =	vld [tilespmem:s9+$0xFFFFFF20]  }
0x76: {  	v8 =	vld [tilespmem:s9+$0xFFFFFFA0]  }
0x77: {  	v9 =	vld [tilespmem:s9+$0xFFFFFF30]  }
0x78: {  	v10 =	vld [tilespmem:s9+$0xFFFFFFB0]  }
0x79: {  	v11 =	vld [tilespmem:s9+$0xFFFFFF40]  }
0x7a: {  	v12 =	vld [tilespmem:s9+$0xFFFFFFC0]  }
0x7b: {  	v13 =	vld [tilespmem:s9+$0xFFFFFF50]  }
0x7c: {  	v14 =	vld [tilespmem:s9+$0xFFFFFFD0]  }
0x7d: {  	v15 =	vld [tilespmem:s9+$0xFFFFFF60]  }
0x7e: {  	v16 =	vld [tilespmem:s9+$0xFFFFFFE0]  }
0x7f: {  	v17 =	vld [tilespmem:s9+$0xFFFFFF70]  }
0x80: {  	v18 =	vld [tilespmem:s9+$0xFFFFFFF0]  }
0x81: {  	v19 =	vld [tilespmem:s9+$0x0]  }
0x82: {  	v20 =	vld [tilespmem:s9+$0x80]  }
0x83: {  	v21 =	vld [tilespmem:s9+$0x10]  }
0x84: {  	v22 =	vld [tilespmem:s9+$0x90]  }
0x85: {  	v23 =	vld [tilespmem:s9+$0x20]  }
0x86: {  	v24 =	vld [tilespmem:s9+$0xA0]  }
0x87: {  	v25 =	vld [tilespmem:s9+$0x30]  }
0x88: {  	v26 =	vld [tilespmem:s9+$0xB0]  }
0x89: {  	v27 =	vld [tilespmem:s9+$0x40]  }
0x8a: {  	v28 =	vld [tilespmem:s9+$0xC0]  }
0x8b: {  	v29 =	vld [tilespmem:s9+$0x50]  }
0x8c: {  	v30 =	vld [tilespmem:s9+$0xD0]  }
0x8d: {  	v31 =	vld [tilespmem:s9+$0x60]  }
0x8e: {  	v32 =	vld [tilespmem:s9+$0xE0]  }
0x8f: {  	v33 =	vld [tilespmem:s9+$0xFFFFFF00]  }
0x90: {  	v34 =	vld [tilespmem:s7+$0xFFFFFF80]  }
0x91: {  	v35 =	vld [tilespmem:s7+$0xFFFFFF90]  }
0x92: {  	v36 =	vld [tilespmem:s7+$0xFFFFFFA0]  }
0x93: {  	v37 =	vld [tilespmem:s7+$0xFFFFFFB0]  }
0x94: {  	v38 =	vld [tilespmem:s7+$0xFFFFFFC0]  }
0x95: {  	v39 =	vld [tilespmem:s7+$0xFFFFFFD0]  }
0x96: {  	v40 =	vld [tilespmem:s7+$0xFFFFFFE0]  }
0x97: {  	v41 =	vld [tilespmem:s7+$0xFFFFFFF0]  }
0x98: {  	v42 =	vld [tilespmem:s7+$0x0]  }
0x99: {  	v43 =	vld [tilespmem:s7+$0x10]  }
0x9a: {  	v44 =	vld [tilespmem:s7+$0x20]  }
0x9b: {  	v45 =	vld [tilespmem:s7+$0x30]  }
0x9c: {  	v46 =	vld [tilespmem:s7+$0x40]  }
0x9d: {  	v47 =	vld [tilespmem:s7+$0x50]  }
0x9e: {  	v48 =	vld [tilespmem:s7+$0x60]  }
0x9f: {  	v49 =	vld [tilespmem:s8+$0xFFFFFF80]  }
0xa0: {  	v50 =	vld [tilespmem:s8+$0xFFFFFF90]  }
0xa1: {  	v51 =	vld [tilespmem:s8+$0xFFFFFFA0]  }
0xa2: {  	v52 =	vld [tilespmem:s8+$0xFFFFFFB0]  }
0xa3: {  	v53 =	vld [tilespmem:s8+$0xFFFFFFC0]  }
0xa4: {  	v54 =	vld [tilespmem:s8+$0xFFFFFFD0]  }
0xa5: {  	v55 =	vld [tilespmem:s8+$0xFFFFFFE0]  }
0xa6: {  	v56 =	vld [tilespmem:s8+$0xFFFFFFF0]  }
0xa7: {  	v57 =	vld [tilespmem:s8+$0x0]  }
0xa8: {  	v58 =	vld [tilespmem:s8+$0x10]  }
0xa9: {  	v59 =	vld [tilespmem:s8+$0x20]  }
0xaa: {  	v60 =	vld [tilespmem:s8+$0x30]  }
0xab: {  	v61 =	vld [tilespmem:s8+$0x40]  }
0xac: {  	v62 =	vld [tilespmem:s8+$0x50]  }
0xad: {  	v63 =	vld [tilespmem:s8+$0x60]  }
0xae: {  	v0 =	vld.idx.msk [tilespmem:v0+s21+$0x0], $0xffff  }
0xaf: {  	v1 =	vld.idx.msk [tilespmem:v1+s22+$0x0], $0xffff  }
0xb0: {  	v3 =	vld.idx.msk [tilespmem:v3+s23+$0x0], $0xffff  }
0xb1: {  	v5 =	vld.idx.msk [tilespmem:v5+s2+$0x0], $0xffff  }
0xb2: {  	v33 =	vld.idx.msk [tilespmem:v33+s21+$0x0], $0xffff  }
0xb3: {  	v2 =	vld.idx.msk [tilespmem:v2+s22+$0x0], $0xffff  }
0xb4: {  	v4 =	vld.idx.msk [tilespmem:v4+s21+$0x0], $0xffff  }
0xb5: {  	v6 =	vld.idx.msk [tilespmem:v6+s22+$0x0], $0xffff  }
0xb6: {  	v7 =	vld.idx.msk [tilespmem:v7+s21+$0x0], $0xffff  }
0xb7: {  	v8 =	vld.idx.msk [tilespmem:v8+s22+$0x0], $0xffff  }
0xb8: {  	v9 =	vld.idx.msk [tilespmem:v9+s21+$0x0], $0xffff  }
0xb9: {  	v10 =	vld.idx.msk [tilespmem:v10+s22+$0x0], $0xffff  }
0xba: {  	v11 =	vld.idx.msk [tilespmem:v11+s21+$0x0], $0xffff  }
0xbb: {  	v12 =	vld.idx.msk [tilespmem:v12+s22+$0x0], $0xffff  }
0xbc: {  	v13 =	vld.idx.msk [tilespmem:v13+s21+$0x0], $0xffff  }
0xbd: {  	v14 =	vld.idx.msk [tilespmem:v14+s22+$0x0], $0xffff  }
0xbe: {  	v15 =	vld.idx.msk [tilespmem:v15+s21+$0x0], $0xffff  }
0xbf: {  	v16 =	vld.idx.msk [tilespmem:v16+s22+$0x0], $0xffff  }
0xc0: {  	v17 =	vld.idx.msk [tilespmem:v17+s21+$0x0], $0xffff  }
0xc1: {  	v18 =	vld.idx.msk [tilespmem:v18+s22+$0x0], $0xffff  }
0xc2: {  	v19 =	vld.idx.msk [tilespmem:v19+s21+$0x0], $0xffff  }
0xc3: {  	v20 =	vld.idx.msk [tilespmem:v20+s22+$0x0], $0xffff  }
0xc4: {  	v21 =	vld.idx.msk [tilespmem:v21+s21+$0x0], $0xffff  }
0xc5: {  	v22 =	vld.idx.msk [tilespmem:v22+s22+$0x0], $0xffff  }
0xc6: {  	v23 =	vld.idx.msk [tilespmem:v23+s21+$0x0], $0xffff  }
0xc7: {  	v24 =	vld.idx.msk [tilespmem:v24+s22+$0x0], $0xffff  }
0xc8: {  	v25 =	vld.idx.msk [tilespmem:v25+s21+$0x0], $0xffff  }
0xc9: {  	v26 =	vld.idx.msk [tilespmem:v26+s22+$0x0], $0xffff  }
0xca: {  	v27 =	vld.idx.msk [tilespmem:v27+s21+$0x0], $0xffff  }
0xcb: {  	v28 =	vld.idx.msk [tilespmem:v28+s22+$0x0], $0xffff  }
0xcc: {  	v29 =	vld.idx.msk [tilespmem:v29+s21+$0x0], $0xffff  }
0xcd: {  	v30 =	vld.idx.msk [tilespmem:v30+s22+$0x0], $0xffff  }
0xce: {  	v31 =	vld.idx.msk [tilespmem:v31+s21+$0x0], $0xffff  }
0xcf: {  	v32 =	vld.idx.msk [tilespmem:v32+s22+$0x0], $0xffff  }
0xd0: {  	v34 =	vld.idx.msk [tilespmem:v34+s23+$0x0], $0xffff  }
0xd1: {  	v35 =	vld.idx.msk [tilespmem:v35+s23+$0x0], $0xffff  }
0xd2: {  	v36 =	vld.idx.msk [tilespmem:v36+s23+$0x0], $0xffff  }
0xd3: {  	v37 =	vld.idx.msk [tilespmem:v37+s23+$0x0], $0xffff  }
0xd4: {  	v38 =	vld.idx.msk [tilespmem:v38+s23+$0x0], $0xffff  }
0xd5: {  	v0 =	vadd.f32 v1, v0;
	v1 =	vld.idx.msk [tilespmem:v40+s23+$0x0], $0xffff  }
0xd6: {  	v40 =	vld.idx.msk [tilespmem:v41+s23+$0x0], $0xffff  }
0xd7: {  	v41 =	vld.idx.msk [tilespmem:v43+s23+$0x0], $0xffff  }
0xd8: {  	v2 =	vadd.f32 v2, v33;
	v33 =	vld.idx.msk [tilespmem:v44+s23+$0x0], $0xffff  }
0xd9: {  	v4 =	vadd.f32 v6, v4;
	v6 =	vld.idx.msk [tilespmem:v45+s23+$0x0], $0xffff  }
0xda: {  	v43 =	vadd.f32 v24, v23;
	v44 =	vld.idx.msk [tilespmem:v49+s2+$0x0], $0xffff  }
0xdb: {  	v45 =	vadd.f32 v26, v25;
	v0 =	vadd.f32 v3, v0;
	v3 =	vld.idx.msk [tilespmem:v42+s23+$0x0], $0xffff  }
0xdc: {  	v49 =	vadd.f32 v32, v31;
	v42 =	vld.idx.msk [tilespmem:v48+s23+$0x0], $0xffff;
	v48 =	vadd.f32 v30, v29  }
0xdd: {  	v39 =	vld.idx.msk [tilespmem:v39+s23+$0x0], $0xffff;
	v2 =	vadd.f32 v34, v2;
	v4 =	vadd.f32 v35, v4  }
0xde: {  	v53 =	vld.idx.msk [tilespmem:v53+s2+$0x0], $0xffff;
	v0 =	vadd.f32 v5, v0;
	v5 =	vadd.f32 v8, v7  }
0xdf: {  	v7 =	vadd.f32 v10, v9;
	v8 =	vadd.f32 v12, v11;
	v9 =	vld.idx.msk [tilespmem:v46+s23+$0x0], $0xffff  }
0xe0: {  	v10 =	vadd.f32 v14, v13;
	v11 =	vadd.f32 v16, v15;
	v15 =	vld.idx.msk [tilespmem:v47+s23+$0x0], $0xffff  }
0xe1: {  	v12 =	vadd.f32 v18, v17;
	v13 =	vadd.f32 v20, v19;
	v47 =	vld.idx.msk [tilespmem:v50+s2+$0x0], $0xffff  }
0xe2: {  	v14 =	vadd.f32 v22, v21;
	v46 =	vadd.f32 v28, v27;
	v50 =	vld.idx.msk [tilespmem:v51+s2+$0x0], $0xffff  }
0xe3: {  	v51 =	vld.idx.msk [tilespmem:v52+s2+$0x0], $0xffff;
	v2 =	vadd.f32 v44, v2;
	v5 =	vadd.f32 v36, v5  }
0xe4: {  	v54 =	vld.idx.msk [tilespmem:v54+s2+$0x0], $0xffff;
	v52 =	vadd.f32 v37, v7;
	v8 =	vadd.f32 v38, v8  }
0xe5: {  	s9 =	simm.s32 $0xE280;
	v57 =	vld.idx.msk [tilespmem:v57+s2+$0x0], $0xffff;
	v10 =	vadd.f32 v39, v10;
	v1 =	vadd.f32 v1, v11  }
0xe6: {  	v11 =	vld.idx.msk [tilespmem:v55+s2+$0x0], $0xffff;
	[tilespmem:s9+$0x70] =	vst v0;
	v0 =	vadd.f32 v40, v12;
	v4 =	vadd.f32 v47, v4  }
0xe7: {  	v55 =	vld.idx.msk [tilespmem:v56+s2+$0x0], $0xffff;
	v7 =	vadd.f32 v41, v14;
	[tilespmem:s9+$0xFFFFFF80] =	vst v2;
	v2 =	vadd.f32 v50, v5  }
0xe8: {  	v56 =	vadd.f32 v3, v13;
	v3 =	vadd.f32 v51, v52;
	v5 =	vld.idx.msk [tilespmem:v58+s2+$0x0], $0xffff;
	[tilespmem:s9+$0xFFFFFF90] =	vst v4  }
0xe9: {  	v13 =	vadd.f32 v6, v45;
	v6 =	vadd.f32 v54, v10;
	[tilespmem:s9+$0xFFFFFFA0] =	vst v2;
	v4 =	vld.idx.msk [tilespmem:v59+s2+$0x0], $0xffff  }
0xea: {  	v14 =	vadd.f32 v33, v43;
	v2 =	vadd.f32 v53, v8;
	[tilespmem:s9+$0xFFFFFFB0] =	vst v3;
	v3 =	vld.idx.msk [tilespmem:v60+s2+$0x0], $0xffff  }
0xeb: {  	v12 =	vadd.f32 v9, v46;
	[tilespmem:s9+$0xFFFFFFD0] =	vst v6;
	v9 =	vadd.f32 v11, v1;
	v1 =	vld.idx.msk [tilespmem:v62+s2+$0x0], $0xffff  }
0xec: {  	v10 =	vadd.f32 v42, v49;
	v8 =	vadd.f32 v55, v0;
	[tilespmem:s9+$0xFFFFFFC0] =	vst v2;
	v2 =	vld.idx.msk [tilespmem:v61+s2+$0x0], $0xffff  }
0xed: {  	s10 =	simm.s32 $0x0;
	s11 =	simm.s32 $0x300;
	v6 =	vadd.f32 v57, v56;
	v11 =	vadd.f32 v15, v48;
	v0 =	vld.idx.msk [tilespmem:v63+s2+$0x0], $0xffff;
	[tilespmem:s9+$0xFFFFFFE0] =	vst v9  }
.LBB2_2:
0xee: {  	v9 =	vld [tilespmem:s11+$0x70];
	[tilespmem:s9+$0xFFFFFFF0] =	vst v8;
	v5 =	vadd.f32 v5, v7  }
0xef: {  	s10 =	sadd.s32 $0x100, s10;
	v4 =	vadd.f32 v4, v14;
	v8 =	vld [tilespmem:s11+$0xF0];
	[tilespmem:s9+$0x0] =	vst v6  }
0xf0: {  	s7 =	sadd.s32 $0x100, s7;
	p1 =	slt.u32 s10, $0xC00;
	v3 =	vadd.f32 v3, v13;
	v7 =	vld [tilespmem:s11+$0xFFFFFF80];
	[tilespmem:s9+$0x10] =	vst v5  }
0xf1: {  	v2 =	vadd.f32 v2, v12;
	v5 =	vld [tilespmem:s7+$0x70];
	[tilespmem:s9+$0x20] =	vst v4  }
0xf2: {  	s8 =	sadd.s32 $0x100, s8;
	v1 =	vadd.f32 v1, v11;
	v16 =	vld [tilespmem:s11+$0xFFFFFF10];
	[tilespmem:s9+$0x30] =	vst v3  }
0xf3: {  	v0 =	vadd.f32 v0, v10;
	v3 =	vld [tilespmem:s8+$0x70];
	[tilespmem:s9+$0x40] =	vst v2  }
0xf4: {  	v24 =	vld [tilespmem:s11+$0xFFFFFF90];
	[tilespmem:s9+$0x50] =	vst v1  }
0xf5: {  	v26 =	vld [tilespmem:s11+$0xFFFFFF20];
	[tilespmem:s9+$0x60] =	vst v0  }
0xf6: {  	v0 =	vld.idx.msk [tilespmem:v9+s21+$0x0], $0xffff  }
0xf7: {  	v1 =	vld.idx.msk [tilespmem:v8+s22+$0x0], $0xffff  }
0xf8: {  	v39 =	vld [tilespmem:s11+$0xFFFFFFA0]  }
0xf9: {  	v2 =	vld.idx.msk [tilespmem:v5+s23+$0x0], $0xffff  }
0xfa: {  	v44 =	vld [tilespmem:s11+$0xFFFFFF30]  }
0xfb: {  	v3 =	vld.idx.msk [tilespmem:v3+s2+$0x0], $0xffff  }
0xfc: {  	v47 =	vld [tilespmem:s11+$0xFFFFFFB0]  }
0xfd: {  	v0 =	vadd.f32 v1, v0;
	v48 =	vld [tilespmem:s11+$0xFFFFFF40]  }
0xfe: {  	v49 =	vld [tilespmem:s11+$0xFFFFFFC0]  }
0xff: {  	v0 =	vadd.f32 v2, v0;
	v50 =	vld [tilespmem:s11+$0xFFFFFF50]  }
0x100: {  	v51 =	vld [tilespmem:s11+$0xFFFFFFD0]  }
0x101: {  	v0 =	vadd.f32 v3, v0;
	v52 =	vld [tilespmem:s11+$0xFFFFFF60]  }
0x102: {  	s9 =	sadd.s32 $0x100, s9;
	v53 =	vld [tilespmem:s11+$0xFFFFFFE0]  }
0x103: {  	v54 =	vld [tilespmem:s11+$0xFFFFFF70];
	[tilespmem:s9+$0x70] =	vst v0  }
0x104: {  	v55 =	vld [tilespmem:s11+$0xFFFFFFF0]  }
0x105: {  	v56 =	vld [tilespmem:s11+$0x0]  }
0x106: {  	v57 =	vld [tilespmem:s11+$0x80]  }
0x107: {  	v58 =	vld [tilespmem:s11+$0x10]  }
0x108: {  	v45 =	vld [tilespmem:s11+$0x90]  }
0x109: {  	v46 =	vld [tilespmem:s11+$0x20]  }
0x10a: {  	v42 =	vld [tilespmem:s11+$0xA0]  }
0x10b: {  	v43 =	vld [tilespmem:s11+$0x30]  }
0x10c: {  	v40 =	vld [tilespmem:s11+$0xB0]  }
0x10d: {  	v41 =	vld [tilespmem:s11+$0x40]  }
0x10e: {  	v37 =	vld [tilespmem:s11+$0xC0]  }
0x10f: {  	v38 =	vld [tilespmem:s11+$0x50]  }
0x110: {  	v33 =	vld [tilespmem:s11+$0xD0]  }
0x111: {  	v34 =	vld [tilespmem:s11+$0x60]  }
0x112: {  	v30 =	vld [tilespmem:s11+$0xE0]  }
0x113: {  	v59 =	vld [tilespmem:s11+$0xFFFFFF00]  }
0x114: {  	v35 =	vld [tilespmem:s7+$0xFFFFFF80]  }
0x115: {  	v36 =	vld [tilespmem:s7+$0xFFFFFF90]  }
0x116: {  	v31 =	vld [tilespmem:s7+$0xFFFFFFA0]  }
0x117: {  	v32 =	vld [tilespmem:s7+$0xFFFFFFB0]  }
0x118: {  	v28 =	vld [tilespmem:s7+$0xFFFFFFC0]  }
0x119: {  	v29 =	vld [tilespmem:s7+$0xFFFFFFD0]  }
0x11a: {  	v27 =	vld [tilespmem:s7+$0xFFFFFFE0]  }
0x11b: {  	v25 =	vld [tilespmem:s7+$0xFFFFFFF0]  }
0x11c: {  	v23 =	vld [tilespmem:s7+$0x0]  }
0x11d: {  	v22 =	vld [tilespmem:s7+$0x10]  }
0x11e: {  	v21 =	vld [tilespmem:s7+$0x20]  }
0x11f: {  	v20 =	vld [tilespmem:s7+$0x30]  }
0x120: {  	v19 =	vld [tilespmem:s7+$0x40]  }
0x121: {  	v18 =	vld [tilespmem:s7+$0x50]  }
0x122: {  	v17 =	vld [tilespmem:s7+$0x60]  }
0x123: {  	v15 =	vld [tilespmem:s8+$0xFFFFFF80]  }
0x124: {  	v14 =	vld [tilespmem:s8+$0xFFFFFF90]  }
0x125: {  	v13 =	vld [tilespmem:s8+$0xFFFFFFA0]  }
0x126: {  	v12 =	vld [tilespmem:s8+$0xFFFFFFB0]  }
0x127: {  	v11 =	vld [tilespmem:s8+$0xFFFFFFC0]  }
0x128: {  	v10 =	vld [tilespmem:s8+$0xFFFFFFD0]  }
0x129: {  	v9 =	vld [tilespmem:s8+$0xFFFFFFE0]  }
0x12a: {  	v8 =	vld [tilespmem:s8+$0xFFFFFFF0]  }
0x12b: {  	v6 =	vld [tilespmem:s8+$0x0]  }
0x12c: {  	v5 =	vld [tilespmem:s8+$0x10]  }
0x12d: {  	v4 =	vld [tilespmem:s8+$0x20]  }
0x12e: {  	v3 =	vld [tilespmem:s8+$0x30]  }
0x12f: {  	v2 =	vld [tilespmem:s8+$0x40]  }
0x130: {  	v1 =	vld [tilespmem:s8+$0x50]  }
0x131: {  	v0 =	vld [tilespmem:s8+$0x60]  }
0x132: {  	v59 =	vld.idx.msk [tilespmem:v59+s21+$0x0], $0xffff  }
0x133: {  	v7 =	vld.idx.msk [tilespmem:v7+s22+$0x0], $0xffff  }
0x134: {  	v16 =	vld.idx.msk [tilespmem:v16+s21+$0x0], $0xffff  }
0x135: {  	v24 =	vld.idx.msk [tilespmem:v24+s22+$0x0], $0xffff  }
0x136: {  	v26 =	vld.idx.msk [tilespmem:v26+s21+$0x0], $0xffff  }
0x137: {  	v39 =	vld.idx.msk [tilespmem:v39+s22+$0x0], $0xffff  }
0x138: {  	v44 =	vld.idx.msk [tilespmem:v44+s21+$0x0], $0xffff  }
0x139: {  	v7 =	vadd.f32 v7, v59;
	v47 =	vld.idx.msk [tilespmem:v47+s22+$0x0], $0xffff  }
0x13a: {  	v48 =	vld.idx.msk [tilespmem:v48+s21+$0x0], $0xffff  }
0x13b: {  	v16 =	vadd.f32 v24, v16;
	v24 =	vld.idx.msk [tilespmem:v49+s22+$0x0], $0xffff  }
0x13c: {  	v49 =	vld.idx.msk [tilespmem:v50+s21+$0x0], $0xffff  }
0x13d: {  	v26 =	vadd.f32 v39, v26;
	v39 =	vld.idx.msk [tilespmem:v51+s22+$0x0], $0xffff  }
0x13e: {  	v50 =	vld.idx.msk [tilespmem:v52+s21+$0x0], $0xffff  }
0x13f: {  	v44 =	vadd.f32 v47, v44;
	v47 =	vld.idx.msk [tilespmem:v53+s22+$0x0], $0xffff  }
0x140: {  	v51 =	vld.idx.msk [tilespmem:v54+s21+$0x0], $0xffff  }
0x141: {  	v24 =	vadd.f32 v24, v48;
	v48 =	vld.idx.msk [tilespmem:v55+s22+$0x0], $0xffff  }
0x142: {  	v52 =	vld.idx.msk [tilespmem:v56+s21+$0x0], $0xffff  }
0x143: {  	v39 =	vadd.f32 v39, v49;
	v49 =	vld.idx.msk [tilespmem:v57+s22+$0x0], $0xffff  }
0x144: {  	v53 =	vld.idx.msk [tilespmem:v58+s21+$0x0], $0xffff  }
0x145: {  	v47 =	vadd.f32 v47, v50;
	v45 =	vld.idx.msk [tilespmem:v45+s22+$0x0], $0xffff  }
0x146: {  	v46 =	vld.idx.msk [tilespmem:v46+s21+$0x0], $0xffff  }
0x147: {  	v48 =	vadd.f32 v48, v51;
	v42 =	vld.idx.msk [tilespmem:v42+s22+$0x0], $0xffff  }
0x148: {  	v43 =	vld.idx.msk [tilespmem:v43+s21+$0x0], $0xffff  }
0x149: {  	v49 =	vadd.f32 v49, v52;
	v40 =	vld.idx.msk [tilespmem:v40+s22+$0x0], $0xffff  }
0x14a: {  	v41 =	vld.idx.msk [tilespmem:v41+s21+$0x0], $0xffff  }
0x14b: {  	v45 =	vadd.f32 v45, v53;
	v37 =	vld.idx.msk [tilespmem:v37+s22+$0x0], $0xffff  }
0x14c: {  	v38 =	vld.idx.msk [tilespmem:v38+s21+$0x0], $0xffff  }
0x14d: {  	v42 =	vadd.f32 v42, v46;
	v33 =	vld.idx.msk [tilespmem:v33+s22+$0x0], $0xffff  }
0x14e: {  	v34 =	vld.idx.msk [tilespmem:v34+s21+$0x0], $0xffff  }
0x14f: {  	v40 =	vadd.f32 v40, v43;
	v30 =	vld.idx.msk [tilespmem:v30+s22+$0x0], $0xffff  }
0x150: {  	v35 =	vld.idx.msk [tilespmem:v35+s23+$0x0], $0xffff  }
0x151: {  	v37 =	vadd.f32 v37, v41;
	v36 =	vld.idx.msk [tilespmem:v36+s23+$0x0], $0xffff  }
0x152: {  	v31 =	vld.idx.msk [tilespmem:v31+s23+$0x0], $0xffff  }
0x153: {  	v33 =	vadd.f32 v33, v38;
	v32 =	vld.idx.msk [tilespmem:v32+s23+$0x0], $0xffff  }
0x154: {  	v28 =	vld.idx.msk [tilespmem:v28+s23+$0x0], $0xffff  }
0x155: {  	v30 =	vadd.f32 v30, v34;
	v29 =	vld.idx.msk [tilespmem:v29+s23+$0x0], $0xffff  }
0x156: {  	v34 =	vadd.f32 v35, v7;
	v7 =	vld.idx.msk [tilespmem:v27+s23+$0x0], $0xffff  }
0x157: {  	v16 =	vadd.f32 v36, v16;
	v25 =	vld.idx.msk [tilespmem:v25+s23+$0x0], $0xffff  }
0x158: {  	v26 =	vadd.f32 v31, v26;
	v23 =	vld.idx.msk [tilespmem:v23+s23+$0x0], $0xffff  }
0x159: {  	v27 =	vadd.f32 v32, v44;
	v22 =	vld.idx.msk [tilespmem:v22+s23+$0x0], $0xffff  }
0x15a: {  	v24 =	vadd.f32 v28, v24;
	v21 =	vld.idx.msk [tilespmem:v21+s23+$0x0], $0xffff  }
0x15b: {  	v28 =	vadd.f32 v29, v39;
	v20 =	vld.idx.msk [tilespmem:v20+s23+$0x0], $0xffff  }
0x15c: {  	v29 =	vadd.f32 v7, v47;
	v19 =	vld.idx.msk [tilespmem:v19+s23+$0x0], $0xffff  }
0x15d: {  	v25 =	vadd.f32 v25, v48;
	v18 =	vld.idx.msk [tilespmem:v18+s23+$0x0], $0xffff  }
0x15e: {  	v23 =	vadd.f32 v23, v49;
	v17 =	vld.idx.msk [tilespmem:v17+s23+$0x0], $0xffff  }
0x15f: {  	v7 =	vadd.f32 v22, v45;
	v15 =	vld.idx.msk [tilespmem:v15+s2+$0x0], $0xffff  }
0x160: {  	v22 =	vld.idx.msk [tilespmem:v14+s2+$0x0], $0xffff;
	v14 =	vadd.f32 v21, v42  }
0x161: {  	v21 =	vld.idx.msk [tilespmem:v13+s2+$0x0], $0xffff;
	v13 =	vadd.f32 v20, v40  }
0x162: {  	v20 =	vld.idx.msk [tilespmem:v12+s2+$0x0], $0xffff;
	v12 =	vadd.f32 v19, v37  }
0x163: {  	v19 =	vld.idx.msk [tilespmem:v11+s2+$0x0], $0xffff;
	v11 =	vadd.f32 v18, v33  }
0x164: {  	v18 =	vld.idx.msk [tilespmem:v10+s2+$0x0], $0xffff;
	v10 =	vadd.f32 v17, v30  }
0x165: {  	v15 =	vadd.f32 v15, v34;
	v9 =	vld.idx.msk [tilespmem:v9+s2+$0x0], $0xffff  }
0x166: {  	v16 =	vadd.f32 v22, v16;
	v8 =	vld.idx.msk [tilespmem:v8+s2+$0x0], $0xffff  }
0x167: {  	[tilespmem:s9+$0xFFFFFF80] =	vst v15;
	v15 =	vadd.f32 v21, v26;
	v6 =	vld.idx.msk [tilespmem:v6+s2+$0x0], $0xffff  }
0x168: {  	[tilespmem:s9+$0xFFFFFF90] =	vst v16;
	v16 =	vadd.f32 v20, v27;
	v5 =	vld.idx.msk [tilespmem:v5+s2+$0x0], $0xffff  }
.Ltmp2:
0x169: {  	[tilespmem:s9+$0xFFFFFFA0] =	vst v15;
	v15 =	vadd.f32 v19, v24;
	v4 =	vld.idx.msk [tilespmem:v4+s2+$0x0], $0xffff;
	(pc) =	sbr.rel @p1 .LBB2_2-.Ltmp2, $4  }
0x16a: {  	[tilespmem:s9+$0xFFFFFFB0] =	vst v16;
	v16 =	vadd.f32 v18, v28;
	v3 =	vld.idx.msk [tilespmem:v3+s2+$0x0], $0xffff  }
0x16b: {  	v9 =	vadd.f32 v9, v29;
	[tilespmem:s9+$0xFFFFFFC0] =	vst v15;
	v2 =	vld.idx.msk [tilespmem:v2+s2+$0x0], $0xffff  }
0x16c: {  	v8 =	vadd.f32 v8, v25;
	[tilespmem:s9+$0xFFFFFFD0] =	vst v16;
	v1 =	vld.idx.msk [tilespmem:v1+s2+$0x0], $0xffff  }
0x16d: {  	s11 =	sadd.s32 $0x200, s11;
	v6 =	vadd.f32 v6, v23;
	[tilespmem:s9+$0xFFFFFFE0] =	vst v9;
	v0 =	vld.idx.msk [tilespmem:v0+s2+$0x0], $0xffff  }
0x16e: {  	[tilespmem:s9+$0xFFFFFFF0] =	vst v8;
	v5 =	vadd.f32 v5, v7  }
0x16f: {  	v4 =	vadd.f32 v4, v14;
	[tilespmem:s9+$0x0] =	vst v6  }
0x170: {  	v3 =	vadd.f32 v3, v13;
	[tilespmem:s9+$0x10] =	vst v5  }
0x171: {  	[tilespmem:s9+$0x20] =	vst v4;
	v2 =	vadd.f32 v2, v12  }
0x172: {  	[tilespmem:s9+$0x30] =	vst v3;
	v1 =	vadd.f32 v1, v11  }
0x173: {  	[tilespmem:s9+$0x40] =	vst v2;
	v0 =	vadd.f32 v0, v10  }
0x174: {  	[tilespmem:s9+$0x50] =	vst v1  }
0x175: {  	s7 =	simm.s32 $0xE200;
	[tilespmem:s9+$0x60] =	vst v0  }
0x176: {  	[hbm4b:s15+s5] =	stream.linear.scatter [tilespmem:s7], [sflag:$0x5], $0xD00, $0x38;
	[tilespmem:$0x10900] =	vst v63  }
0x177: {  	_ = 	snop  }
0x178: {  	[tilespmem:s5], [sflag:$0x1] =	stream.linear.gather [hbm4b:s16+s5], $0x1A00, $0x38;
	[tilespmem:$0x10900] =	vst v63  }
0x179: {  	_ = 	snop  }
0x17a: {  	[tilespmem:s28], [sflag:$0x1] =	stream.linear.gather [hbm4b:s17+s5], $0xD00, $0x38;
	[tilespmem:$0x10900] =	vst v63  }
0x17b: {  	_ = 	snop  }
0x17c: {  	[tilespmem:s29], [sflag:$0x1] =	stream.linear.gather [hbm4b:s20+s5], $0xD00, $0x38;
	[tilespmem:$0x10900] =	vst v63  }
0x17d: {  	_ =	swait.ge [sflag:s0], $0x1A00  }
0x17e: {  	[sflag:s0] =	ssyncset.done $0x0  }
0x17f: {  	[sflag:s0] =	ssyncadd.s32 $0xFFFFE600  }
0x180: {  	_ =	swait.ge [sflag:s0], $0xD00  }
0x181: {  	[sflag:s0] =	ssyncset.done $0x0  }
0x182: {  	[sflag:s0] =	ssyncadd.s32 $0xFFFFF300  }
0x183: {  	_ =	swait.ge [sflag:s0], $0xD00  }
0x184: {  	[sflag:s0] =	ssyncset.done $0x0  }
0x185: {  	s11 =	simm.s32 $0x1BF0;
	[sflag:s0] =	ssyncadd.s32 $0xFFFFF300  }
0x186: {  	v0 =	vld [tilespmem:s11+$0xFFFFFF80]  }
0x187: {  	v1 =	vld [tilespmem:s11+$0x0]  }
0x188: {  	s7 =	simm.s32 $0x41F0;
	v2 =	vld [tilespmem:s11+$0xFFFFFE90]  }
0x189: {  	v3 =	vld [tilespmem:s7+$0x0]  }
0x18a: {  	s8 =	simm.s32 $0x5BF0;
	v4 =	vld [tilespmem:s11+$0xFFFFFE20]  }
0x18b: {  	v5 =	vld [tilespmem:s8+$0x0]  }
0x18c: {  	v6 =	vld [tilespmem:s11+$0xFFFFFEA0]  }
0x18d: {  	v7 =	vld [tilespmem:s11+$0xFFFFFE30]  }
0x18e: {  	v8 =	vld [tilespmem:s11+$0xFFFFFEB0]  }
0x18f: {  	v9 =	vld [tilespmem:s11+$0xFFFFFE40]  }
0x190: {  	v10 =	vld [tilespmem:s11+$0xFFFFFEC0]  }
0x191: {  	v11 =	vld [tilespmem:s11+$0xFFFFFE50]  }
0x192: {  	v12 =	vld [tilespmem:s11+$0xFFFFFED0]  }
0x193: {  	v13 =	vld [tilespmem:s11+$0xFFFFFE60]  }
0x194: {  	v14 =	vld [tilespmem:s11+$0xFFFFFEE0]  }
0x195: {  	v15 =	vld [tilespmem:s11+$0xFFFFFE70]  }
0x196: {  	v16 =	vld [tilespmem:s11+$0xFFFFFEF0]  }
0x197: {  	v17 =	vld [tilespmem:s11+$0xFFFFFE80]  }
0x198: {  	v18 =	vld [tilespmem:s11+$0xFFFFFF00]  }
0x199: {  	v19 =	vld [tilespmem:s11+$0xFFFFFF10]  }
0x19a: {  	v20 =	vld [tilespmem:s11+$0xFFFFFF90]  }
0x19b: {  	v21 =	vld [tilespmem:s11+$0xFFFFFF20]  }
0x19c: {  	v22 =	vld [tilespmem:s11+$0xFFFFFFA0]  }
0x19d: {  	v23 =	vld [tilespmem:s11+$0xFFFFFF30]  }
0x19e: {  	v24 =	vld [tilespmem:s11+$0xFFFFFFB0]  }
0x19f: {  	v25 =	vld [tilespmem:s11+$0xFFFFFF40]  }
0x1a0: {  	v26 =	vld [tilespmem:s11+$0xFFFFFFC0]  }
0x1a1: {  	v27 =	vld [tilespmem:s11+$0xFFFFFF50]  }
0x1a2: {  	v28 =	vld [tilespmem:s11+$0xFFFFFFD0]  }
0x1a3: {  	v29 =	vld [tilespmem:s11+$0xFFFFFF60]  }
0x1a4: {  	v30 =	vld [tilespmem:s11+$0xFFFFFFE0]  }
0x1a5: {  	v31 =	vld [tilespmem:s11+$0xFFFFFF70]  }
0x1a6: {  	v32 =	vld [tilespmem:s11+$0xFFFFFFF0]  }
0x1a7: {  	v33 =	vld [tilespmem:s11+$0xFFFFFE10]  }
0x1a8: {  	v34 =	vld [tilespmem:s7+$0xFFFFFF10]  }
0x1a9: {  	v35 =	vld [tilespmem:s7+$0xFFFFFF20]  }
0x1aa: {  	v36 =	vld [tilespmem:s7+$0xFFFFFF30]  }
0x1ab: {  	v37 =	vld [tilespmem:s7+$0xFFFFFF40]  }
0x1ac: {  	v38 =	vld [tilespmem:s7+$0xFFFFFF50]  }
0x1ad: {  	v39 =	vld [tilespmem:s7+$0xFFFFFF60]  }
0x1ae: {  	v40 =	vld [tilespmem:s7+$0xFFFFFF70]  }
0x1af: {  	v41 =	vld [tilespmem:s7+$0xFFFFFF80]  }
0x1b0: {  	v42 =	vld [tilespmem:s7+$0xFFFFFF90]  }
0x1b1: {  	v43 =	vld [tilespmem:s7+$0xFFFFFFA0]  }
0x1b2: {  	v44 =	vld [tilespmem:s7+$0xFFFFFFB0]  }
0x1b3: {  	v45 =	vld [tilespmem:s7+$0xFFFFFFC0]  }
0x1b4: {  	v46 =	vld [tilespmem:s7+$0xFFFFFFD0]  }
0x1b5: {  	v47 =	vld [tilespmem:s7+$0xFFFFFFE0]  }
0x1b6: {  	v48 =	vld [tilespmem:s7+$0xFFFFFFF0]  }
0x1b7: {  	v49 =	vld [tilespmem:s8+$0xFFFFFF10]  }
0x1b8: {  	v50 =	vld [tilespmem:s8+$0xFFFFFF20]  }
0x1b9: {  	v51 =	vld [tilespmem:s8+$0xFFFFFF30]  }
0x1ba: {  	v52 =	vld [tilespmem:s8+$0xFFFFFF40]  }
0x1bb: {  	v53 =	vld [tilespmem:s8+$0xFFFFFF50]  }
0x1bc: {  	v54 =	vld [tilespmem:s8+$0xFFFFFF60]  }
0x1bd: {  	v55 =	vld [tilespmem:s8+$0xFFFFFF70]  }
0x1be: {  	v56 =	vld [tilespmem:s8+$0xFFFFFF80]  }
0x1bf: {  	v57 =	vld [tilespmem:s8+$0xFFFFFF90]  }
0x1c0: {  	v58 =	vld [tilespmem:s8+$0xFFFFFFA0]  }
0x1c1: {  	v59 =	vld [tilespmem:s8+$0xFFFFFFB0]  }
0x1c2: {  	v60 =	vld [tilespmem:s8+$0xFFFFFFC0]  }
0x1c3: {  	v61 =	vld [tilespmem:s8+$0xFFFFFFD0]  }
0x1c4: {  	v62 =	vld [tilespmem:s8+$0xFFFFFFE0]  }
0x1c5: {  	v63 =	vld [tilespmem:s8+$0xFFFFFFF0]  }
0x1c6: {  	v0 =	vld.idx.msk [tilespmem:v0+s21+$0x0], $0xffff  }
0x1c7: {  	v1 =	vld.idx.msk [tilespmem:v1+s22+$0x0], $0xffff  }
0x1c8: {  	v3 =	vld.idx.msk [tilespmem:v3+s23+$0x0], $0xffff  }
0x1c9: {  	v5 =	vld.idx.msk [tilespmem:v5+s2+$0x0], $0xffff  }
0x1ca: {  	v33 =	vld.idx.msk [tilespmem:v33+s21+$0x0], $0xffff  }
0x1cb: {  	v2 =	vld.idx.msk [tilespmem:v2+s22+$0x0], $0xffff  }
0x1cc: {  	v4 =	vld.idx.msk [tilespmem:v4+s21+$0x0], $0xffff  }
0x1cd: {  	v6 =	vld.idx.msk [tilespmem:v6+s22+$0x0], $0xffff  }
0x1ce: {  	v7 =	vld.idx.msk [tilespmem:v7+s21+$0x0], $0xffff  }
0x1cf: {  	v8 =	vld.idx.msk [tilespmem:v8+s22+$0x0], $0xffff  }
0x1d0: {  	v9 =	vld.idx.msk [tilespmem:v9+s21+$0x0], $0xffff  }
0x1d1: {  	v10 =	vld.idx.msk [tilespmem:v10+s22+$0x0], $0xffff  }
0x1d2: {  	v11 =	vld.idx.msk [tilespmem:v11+s21+$0x0], $0xffff  }
0x1d3: {  	v12 =	vld.idx.msk [tilespmem:v12+s22+$0x0], $0xffff  }
0x1d4: {  	v13 =	vld.idx.msk [tilespmem:v13+s21+$0x0], $0xffff  }
0x1d5: {  	v14 =	vld.idx.msk [tilespmem:v14+s22+$0x0], $0xffff  }
0x1d6: {  	v15 =	vld.idx.msk [tilespmem:v15+s21+$0x0], $0xffff  }
0x1d7: {  	v16 =	vld.idx.msk [tilespmem:v16+s22+$0x0], $0xffff  }
0x1d8: {  	v17 =	vld.idx.msk [tilespmem:v17+s21+$0x0], $0xffff  }
0x1d9: {  	v18 =	vld.idx.msk [tilespmem:v18+s22+$0x0], $0xffff  }
0x1da: {  	v19 =	vld.idx.msk [tilespmem:v19+s21+$0x0], $0xffff  }
0x1db: {  	v20 =	vld.idx.msk [tilespmem:v20+s22+$0x0], $0xffff  }
0x1dc: {  	v21 =	vld.idx.msk [tilespmem:v21+s21+$0x0], $0xffff  }
0x1dd: {  	v22 =	vld.idx.msk [tilespmem:v22+s22+$0x0], $0xffff  }
0x1de: {  	v23 =	vld.idx.msk [tilespmem:v23+s21+$0x0], $0xffff  }
0x1df: {  	v24 =	vld.idx.msk [tilespmem:v24+s22+$0x0], $0xffff  }
0x1e0: {  	v25 =	vld.idx.msk [tilespmem:v25+s21+$0x0], $0xffff  }
0x1e1: {  	v26 =	vld.idx.msk [tilespmem:v26+s22+$0x0], $0xffff  }
0x1e2: {  	v27 =	vld.idx.msk [tilespmem:v27+s21+$0x0], $0xffff  }
0x1e3: {  	v28 =	vld.idx.msk [tilespmem:v28+s22+$0x0], $0xffff  }
0x1e4: {  	v29 =	vld.idx.msk [tilespmem:v29+s21+$0x0], $0xffff  }
0x1e5: {  	v30 =	vld.idx.msk [tilespmem:v30+s22+$0x0], $0xffff  }
0x1e6: {  	v31 =	vld.idx.msk [tilespmem:v31+s21+$0x0], $0xffff  }
0x1e7: {  	v32 =	vld.idx.msk [tilespmem:v32+s22+$0x0], $0xffff  }
0x1e8: {  	v34 =	vld.idx.msk [tilespmem:v34+s23+$0x0], $0xffff  }
0x1e9: {  	v35 =	vld.idx.msk [tilespmem:v35+s23+$0x0], $0xffff  }
0x1ea: {  	v36 =	vld.idx.msk [tilespmem:v36+s23+$0x0], $0xffff  }
0x1eb: {  	v37 =	vld.idx.msk [tilespmem:v37+s23+$0x0], $0xffff  }
0x1ec: {  	v38 =	vld.idx.msk [tilespmem:v38+s23+$0x0], $0xffff  }
0x1ed: {  	v0 =	vadd.f32 v1, v0;
	v1 =	vld.idx.msk [tilespmem:v40+s23+$0x0], $0xffff  }
0x1ee: {  	v40 =	vld.idx.msk [tilespmem:v41+s23+$0x0], $0xffff  }
0x1ef: {  	v41 =	vld.idx.msk [tilespmem:v43+s23+$0x0], $0xffff  }
0x1f0: {  	v2 =	vadd.f32 v2, v33;
	v33 =	vld.idx.msk [tilespmem:v44+s23+$0x0], $0xffff  }
0x1f1: {  	v4 =	vadd.f32 v6, v4;
	v6 =	vld.idx.msk [tilespmem:v45+s23+$0x0], $0xffff  }
0x1f2: {  	v43 =	vadd.f32 v24, v23;
	v44 =	vld.idx.msk [tilespmem:v49+s2+$0x0], $0xffff  }
0x1f3: {  	v45 =	vadd.f32 v26, v25;
	v0 =	vadd.f32 v3, v0;
	v3 =	vld.idx.msk [tilespmem:v42+s23+$0x0], $0xffff  }
0x1f4: {  	v49 =	vadd.f32 v32, v31;
	v42 =	vld.idx.msk [tilespmem:v48+s23+$0x0], $0xffff;
	v48 =	vadd.f32 v30, v29  }
0x1f5: {  	v39 =	vld.idx.msk [tilespmem:v39+s23+$0x0], $0xffff;
	v2 =	vadd.f32 v34, v2;
	v4 =	vadd.f32 v35, v4  }
0x1f6: {  	v53 =	vld.idx.msk [tilespmem:v53+s2+$0x0], $0xffff;
	v0 =	vadd.f32 v5, v0;
	v5 =	vadd.f32 v8, v7  }
0x1f7: {  	v7 =	vadd.f32 v10, v9;
	v8 =	vadd.f32 v12, v11;
	v9 =	vld.idx.msk [tilespmem:v46+s23+$0x0], $0xffff  }
0x1f8: {  	v10 =	vadd.f32 v14, v13;
	v11 =	vadd.f32 v16, v15;
	v15 =	vld.idx.msk [tilespmem:v47+s23+$0x0], $0xffff  }
0x1f9: {  	v12 =	vadd.f32 v18, v17;
	v13 =	vadd.f32 v20, v19;
	v47 =	vld.idx.msk [tilespmem:v50+s2+$0x0], $0xffff  }
0x1fa: {  	v14 =	vadd.f32 v22, v21;
	v46 =	vadd.f32 v28, v27;
	v50 =	vld.idx.msk [tilespmem:v51+s2+$0x0], $0xffff  }
0x1fb: {  	v51 =	vld.idx.msk [tilespmem:v52+s2+$0x0], $0xffff;
	v2 =	vadd.f32 v44, v2;
	v5 =	vadd.f32 v36, v5  }
0x1fc: {  	v54 =	vld.idx.msk [tilespmem:v54+s2+$0x0], $0xffff;
	v52 =	vadd.f32 v37, v7;
	v8 =	vadd.f32 v38, v8  }
0x1fd: {  	s9 =	simm.s32 $0xEFF0;
	v57 =	vld.idx.msk [tilespmem:v57+s2+$0x0], $0xffff;
	v10 =	vadd.f32 v39, v10;
	v1 =	vadd.f32 v1, v11  }
0x1fe: {  	v11 =	vld.idx.msk [tilespmem:v55+s2+$0x0], $0xffff;
	[tilespmem:s9+$0x0] =	vst v0;
	v0 =	vadd.f32 v40, v12;
	v4 =	vadd.f32 v47, v4  }
0x1ff: {  	v55 =	vld.idx.msk [tilespmem:v56+s2+$0x0], $0xffff;
	v7 =	vadd.f32 v41, v14;
	[tilespmem:s9+$0xFFFFFF10] =	vst v2;
	v2 =	vadd.f32 v50, v5  }
0x200: {  	v56 =	vadd.f32 v3, v13;
	v3 =	vadd.f32 v51, v52;
	v5 =	vld.idx.msk [tilespmem:v58+s2+$0x0], $0xffff;
	[tilespmem:s9+$0xFFFFFF20] =	vst v4  }
0x201: {  	v13 =	vadd.f32 v6, v45;
	v6 =	vadd.f32 v54, v10;
	[tilespmem:s9+$0xFFFFFF30] =	vst v2;
	v4 =	vld.idx.msk [tilespmem:v59+s2+$0x0], $0xffff  }
0x202: {  	v14 =	vadd.f32 v33, v43;
	v2 =	vadd.f32 v53, v8;
	[tilespmem:s9+$0xFFFFFF40] =	vst v3;
	v3 =	vld.idx.msk [tilespmem:v60+s2+$0x0], $0xffff  }
0x203: {  	v12 =	vadd.f32 v9, v46;
	[tilespmem:s9+$0xFFFFFF60] =	vst v6;
	v9 =	vadd.f32 v11, v1;
	v1 =	vld.idx.msk [tilespmem:v62+s2+$0x0], $0xffff  }
0x204: {  	v10 =	vadd.f32 v42, v49;
	v8 =	vadd.f32 v55, v0;
	[tilespmem:s9+$0xFFFFFF50] =	vst v2;
	v2 =	vld.idx.msk [tilespmem:v61+s2+$0x0], $0xffff  }
0x205: {  	s10 =	simm.s32 $0x0;
	s11 =	simm.s32 $0x1DF0;
	v6 =	vadd.f32 v57, v56;
	v11 =	vadd.f32 v15, v48;
	v0 =	vld.idx.msk [tilespmem:v63+s2+$0x0], $0xffff;
	[tilespmem:s9+$0xFFFFFF70] =	vst v9  }
.LBB2_4:
0x206: {  	v9 =	vld [tilespmem:s11+$0xFFFFFF80];
	[tilespmem:s9+$0xFFFFFF80] =	vst v8;
	v5 =	vadd.f32 v5, v7  }
0x207: {  	s10 =	sadd.s32 $0x100, s10;
	v4 =	vadd.f32 v4, v14;
	v8 =	vld [tilespmem:s11+$0x0];
	[tilespmem:s9+$0xFFFFFF90] =	vst v6  }
0x208: {  	s7 =	sadd.s32 $0x100, s7;
	p1 =	slt.u32 s10, $0xC00;
	v3 =	vadd.f32 v3, v13;
	v7 =	vld [tilespmem:s11+$0xFFFFFE90];
	[tilespmem:s9+$0xFFFFFFA0] =	vst v5  }
0x209: {  	v2 =	vadd.f32 v2, v12;
	v5 =	vld [tilespmem:s7+$0x0];
	[tilespmem:s9+$0xFFFFFFB0] =	vst v4  }
0x20a: {  	s8 =	sadd.s32 $0x100, s8;
	v1 =	vadd.f32 v1, v11;
	v16 =	vld [tilespmem:s11+$0xFFFFFE20];
	[tilespmem:s9+$0xFFFFFFC0] =	vst v3  }
0x20b: {  	v0 =	vadd.f32 v0, v10;
	v3 =	vld [tilespmem:s8+$0x0];
	[tilespmem:s9+$0xFFFFFFD0] =	vst v2  }
0x20c: {  	v24 =	vld [tilespmem:s11+$0xFFFFFEA0];
	[tilespmem:s9+$0xFFFFFFE0] =	vst v1  }
0x20d: {  	v26 =	vld [tilespmem:s11+$0xFFFFFE30];
	[tilespmem:s9+$0xFFFFFFF0] =	vst v0  }
0x20e: {  	v0 =	vld.idx.msk [tilespmem:v9+s21+$0x0], $0xffff  }
0x20f: {  	v1 =	vld.idx.msk [tilespmem:v8+s22+$0x0], $0xffff  }
0x210: {  	v39 =	vld [tilespmem:s11+$0xFFFFFEB0]  }
0x211: {  	v2 =	vld.idx.msk [tilespmem:v5+s23+$0x0], $0xffff  }
0x212: {  	v44 =	vld [tilespmem:s11+$0xFFFFFE40]  }
0x213: {  	v3 =	vld.idx.msk [tilespmem:v3+s2+$0x0], $0xffff  }
0x214: {  	v47 =	vld [tilespmem:s11+$0xFFFFFEC0]  }
0x215: {  	v0 =	vadd.f32 v1, v0;
	v48 =	vld [tilespmem:s11+$0xFFFFFE50]  }
0x216: {  	v49 =	vld [tilespmem:s11+$0xFFFFFED0]  }
0x217: {  	v0 =	vadd.f32 v2, v0;
	v50 =	vld [tilespmem:s11+$0xFFFFFE60]  }
0x218: {  	v51 =	vld [tilespmem:s11+$0xFFFFFEE0]  }
0x219: {  	v0 =	vadd.f32 v3, v0;
	v52 =	vld [tilespmem:s11+$0xFFFFFE70]  }
0x21a: {  	s9 =	sadd.s32 $0x100, s9;
	v53 =	vld [tilespmem:s11+$0xFFFFFEF0]  }
0x21b: {  	v54 =	vld [tilespmem:s11+$0xFFFFFE80];
	[tilespmem:s9+$0x0] =	vst v0  }
0x21c: {  	v55 =	vld [tilespmem:s11+$0xFFFFFF00]  }
0x21d: {  	v56 =	vld [tilespmem:s11+$0xFFFFFF10]  }
0x21e: {  	v57 =	vld [tilespmem:s11+$0xFFFFFF90]  }
0x21f: {  	v58 =	vld [tilespmem:s11+$0xFFFFFF20]  }
0x220: {  	v45 =	vld [tilespmem:s11+$0xFFFFFFA0]  }
0x221: {  	v46 =	vld [tilespmem:s11+$0xFFFFFF30]  }
0x222: {  	v42 =	vld [tilespmem:s11+$0xFFFFFFB0]  }
0x223: {  	v43 =	vld [tilespmem:s11+$0xFFFFFF40]  }
0x224: {  	v40 =	vld [tilespmem:s11+$0xFFFFFFC0]  }
0x225: {  	v41 =	vld [tilespmem:s11+$0xFFFFFF50]  }
0x226: {  	v37 =	vld [tilespmem:s11+$0xFFFFFFD0]  }
0x227: {  	v38 =	vld [tilespmem:s11+$0xFFFFFF60]  }
0x228: {  	v33 =	vld [tilespmem:s11+$0xFFFFFFE0]  }
0x229: {  	v34 =	vld [tilespmem:s11+$0xFFFFFF70]  }
0x22a: {  	v30 =	vld [tilespmem:s11+$0xFFFFFFF0]  }
0x22b: {  	v59 =	vld [tilespmem:s11+$0xFFFFFE10]  }
0x22c: {  	v35 =	vld [tilespmem:s7+$0xFFFFFF10]  }
0x22d: {  	v36 =	vld [tilespmem:s7+$0xFFFFFF20]  }
0x22e: {  	v31 =	vld [tilespmem:s7+$0xFFFFFF30]  }
0x22f: {  	v32 =	vld [tilespmem:s7+$0xFFFFFF40]  }
0x230: {  	v28 =	vld [tilespmem:s7+$0xFFFFFF50]  }
0x231: {  	v29 =	vld [tilespmem:s7+$0xFFFFFF60]  }
0x232: {  	v27 =	vld [tilespmem:s7+$0xFFFFFF70]  }
0x233: {  	v25 =	vld [tilespmem:s7+$0xFFFFFF80]  }
0x234: {  	v23 =	vld [tilespmem:s7+$0xFFFFFF90]  }
0x235: {  	v22 =	vld [tilespmem:s7+$0xFFFFFFA0]  }
0x236: {  	v21 =	vld [tilespmem:s7+$0xFFFFFFB0]  }
0x237: {  	v20 =	vld [tilespmem:s7+$0xFFFFFFC0]  }
0x238: {  	v19 =	vld [tilespmem:s7+$0xFFFFFFD0]  }
0x239: {  	v18 =	vld [tilespmem:s7+$0xFFFFFFE0]  }
0x23a: {  	v17 =	vld [tilespmem:s7+$0xFFFFFFF0]  }
0x23b: {  	v15 =	vld [tilespmem:s8+$0xFFFFFF10]  }
0x23c: {  	v14 =	vld [tilespmem:s8+$0xFFFFFF20]  }
0x23d: {  	v13 =	vld [tilespmem:s8+$0xFFFFFF30]  }
0x23e: {  	v12 =	vld [tilespmem:s8+$0xFFFFFF40]  }
0x23f: {  	v11 =	vld [tilespmem:s8+$0xFFFFFF50]  }
0x240: {  	v10 =	vld [tilespmem:s8+$0xFFFFFF60]  }
0x241: {  	v9 =	vld [tilespmem:s8+$0xFFFFFF70]  }
0x242: {  	v8 =	vld [tilespmem:s8+$0xFFFFFF80]  }
0x243: {  	v6 =	vld [tilespmem:s8+$0xFFFFFF90]  }
0x244: {  	v5 =	vld [tilespmem:s8+$0xFFFFFFA0]  }
0x245: {  	v4 =	vld [tilespmem:s8+$0xFFFFFFB0]  }
0x246: {  	v3 =	vld [tilespmem:s8+$0xFFFFFFC0]  }
0x247: {  	v2 =	vld [tilespmem:s8+$0xFFFFFFD0]  }
0x248: {  	v1 =	vld [tilespmem:s8+$0xFFFFFFE0]  }
0x249: {  	v0 =	vld [tilespmem:s8+$0xFFFFFFF0]  }
0x24a: {  	v59 =	vld.idx.msk [tilespmem:v59+s21+$0x0], $0xffff  }
0x24b: {  	v7 =	vld.idx.msk [tilespmem:v7+s22+$0x0], $0xffff  }
0x24c: {  	v16 =	vld.idx.msk [tilespmem:v16+s21+$0x0], $0xffff  }
0x24d: {  	v24 =	vld.idx.msk [tilespmem:v24+s22+$0x0], $0xffff  }
0x24e: {  	v26 =	vld.idx.msk [tilespmem:v26+s21+$0x0], $0xffff  }
0x24f: {  	v39 =	vld.idx.msk [tilespmem:v39+s22+$0x0], $0xffff  }
0x250: {  	v44 =	vld.idx.msk [tilespmem:v44+s21+$0x0], $0xffff  }
0x251: {  	v7 =	vadd.f32 v7, v59;
	v47 =	vld.idx.msk [tilespmem:v47+s22+$0x0], $0xffff  }
0x252: {  	v48 =	vld.idx.msk [tilespmem:v48+s21+$0x0], $0xffff  }
0x253: {  	v16 =	vadd.f32 v24, v16;
	v24 =	vld.idx.msk [tilespmem:v49+s22+$0x0], $0xffff  }
0x254: {  	v49 =	vld.idx.msk [tilespmem:v50+s21+$0x0], $0xffff  }
0x255: {  	v26 =	vadd.f32 v39, v26;
	v39 =	vld.idx.msk [tilespmem:v51+s22+$0x0], $0xffff  }
0x256: {  	v50 =	vld.idx.msk [tilespmem:v52+s21+$0x0], $0xffff  }
0x257: {  	v44 =	vadd.f32 v47, v44;
	v47 =	vld.idx.msk [tilespmem:v53+s22+$0x0], $0xffff  }
0x258: {  	v51 =	vld.idx.msk [tilespmem:v54+s21+$0x0], $0xffff  }
0x259: {  	v24 =	vadd.f32 v24, v48;
	v48 =	vld.idx.msk [tilespmem:v55+s22+$0x0], $0xffff  }
0x25a: {  	v52 =	vld.idx.msk [tilespmem:v56+s21+$0x0], $0xffff  }
0x25b: {  	v39 =	vadd.f32 v39, v49;
	v49 =	vld.idx.msk [tilespmem:v57+s22+$0x0], $0xffff  }
0x25c: {  	v53 =	vld.idx.msk [tilespmem:v58+s21+$0x0], $0xffff  }
0x25d: {  	v47 =	vadd.f32 v47, v50;
	v45 =	vld.idx.msk [tilespmem:v45+s22+$0x0], $0xffff  }
0x25e: {  	v46 =	vld.idx.msk [tilespmem:v46+s21+$0x0], $0xffff  }
0x25f: {  	v48 =	vadd.f32 v48, v51;
	v42 =	vld.idx.msk [tilespmem:v42+s22+$0x0], $0xffff  }
0x260: {  	v43 =	vld.idx.msk [tilespmem:v43+s21+$0x0], $0xffff  }
0x261: {  	v49 =	vadd.f32 v49, v52;
	v40 =	vld.idx.msk [tilespmem:v40+s22+$0x0], $0xffff  }
0x262: {  	v41 =	vld.idx.msk [tilespmem:v41+s21+$0x0], $0xffff  }
0x263: {  	v45 =	vadd.f32 v45, v53;
	v37 =	vld.idx.msk [tilespmem:v37+s22+$0x0], $0xffff  }
0x264: {  	v38 =	vld.idx.msk [tilespmem:v38+s21+$0x0], $0xffff  }
0x265: {  	v42 =	vadd.f32 v42, v46;
	v33 =	vld.idx.msk [tilespmem:v33+s22+$0x0], $0xffff  }
0x266: {  	v34 =	vld.idx.msk [tilespmem:v34+s21+$0x0], $0xffff  }
0x267: {  	v40 =	vadd.f32 v40, v43;
	v30 =	vld.idx.msk [tilespmem:v30+s22+$0x0], $0xffff  }
0x268: {  	v35 =	vld.idx.msk [tilespmem:v35+s23+$0x0], $0xffff  }
0x269: {  	v37 =	vadd.f32 v37, v41;
	v36 =	vld.idx.msk [tilespmem:v36+s23+$0x0], $0xffff  }
0x26a: {  	v31 =	vld.idx.msk [tilespmem:v31+s23+$0x0], $0xffff  }
0x26b: {  	v33 =	vadd.f32 v33, v38;
	v32 =	vld.idx.msk [tilespmem:v32+s23+$0x0], $0xffff  }
0x26c: {  	v28 =	vld.idx.msk [tilespmem:v28+s23+$0x0], $0xffff  }
0x26d: {  	v30 =	vadd.f32 v30, v34;
	v29 =	vld.idx.msk [tilespmem:v29+s23+$0x0], $0xffff  }
0x26e: {  	v34 =	vadd.f32 v35, v7;
	v7 =	vld.idx.msk [tilespmem:v27+s23+$0x0], $0xffff  }
0x26f: {  	v16 =	vadd.f32 v36, v16;
	v25 =	vld.idx.msk [tilespmem:v25+s23+$0x0], $0xffff  }
0x270: {  	v26 =	vadd.f32 v31, v26;
	v23 =	vld.idx.msk [tilespmem:v23+s23+$0x0], $0xffff  }
0x271: {  	v27 =	vadd.f32 v32, v44;
	v22 =	vld.idx.msk [tilespmem:v22+s23+$0x0], $0xffff  }
0x272: {  	v24 =	vadd.f32 v28, v24;
	v21 =	vld.idx.msk [tilespmem:v21+s23+$0x0], $0xffff  }
0x273: {  	v28 =	vadd.f32 v29, v39;
	v20 =	vld.idx.msk [tilespmem:v20+s23+$0x0], $0xffff  }
0x274: {  	v29 =	vadd.f32 v7, v47;
	v19 =	vld.idx.msk [tilespmem:v19+s23+$0x0], $0xffff  }
0x275: {  	v25 =	vadd.f32 v25, v48;
	v18 =	vld.idx.msk [tilespmem:v18+s23+$0x0], $0xffff  }
0x276: {  	v23 =	vadd.f32 v23, v49;
	v17 =	vld.idx.msk [tilespmem:v17+s23+$0x0], $0xffff  }
0x277: {  	v7 =	vadd.f32 v22, v45;
	v15 =	vld.idx.msk [tilespmem:v15+s2+$0x0], $0xffff  }
0x278: {  	v22 =	vld.idx.msk [tilespmem:v14+s2+$0x0], $0xffff;
	v14 =	vadd.f32 v21, v42  }
0x279: {  	v21 =	vld.idx.msk [tilespmem:v13+s2+$0x0], $0xffff;
	v13 =	vadd.f32 v20, v40  }
0x27a: {  	v20 =	vld.idx.msk [tilespmem:v12+s2+$0x0], $0xffff;
	v12 =	vadd.f32 v19, v37  }
0x27b: {  	v19 =	vld.idx.msk [tilespmem:v11+s2+$0x0], $0xffff;
	v11 =	vadd.f32 v18, v33  }
0x27c: {  	v18 =	vld.idx.msk [tilespmem:v10+s2+$0x0], $0xffff;
	v10 =	vadd.f32 v17, v30  }
0x27d: {  	v15 =	vadd.f32 v15, v34;
	v9 =	vld.idx.msk [tilespmem:v9+s2+$0x0], $0xffff  }
0x27e: {  	v16 =	vadd.f32 v22, v16;
	v8 =	vld.idx.msk [tilespmem:v8+s2+$0x0], $0xffff  }
0x27f: {  	[tilespmem:s9+$0xFFFFFF10] =	vst v15;
	v15 =	vadd.f32 v21, v26;
	v6 =	vld.idx.msk [tilespmem:v6+s2+$0x0], $0xffff  }
0x280: {  	[tilespmem:s9+$0xFFFFFF20] =	vst v16;
	v16 =	vadd.f32 v20, v27;
	v5 =	vld.idx.msk [tilespmem:v5+s2+$0x0], $0xffff  }
.Ltmp3:
0x281: {  	[tilespmem:s9+$0xFFFFFF30] =	vst v15;
	v15 =	vadd.f32 v19, v24;
	v4 =	vld.idx.msk [tilespmem:v4+s2+$0x0], $0xffff;
	(pc) =	sbr.rel @p1 .LBB2_4-.Ltmp3, $4  }
0x282: {  	[tilespmem:s9+$0xFFFFFF40] =	vst v16;
	v16 =	vadd.f32 v18, v28;
	v3 =	vld.idx.msk [tilespmem:v3+s2+$0x0], $0xffff  }
0x283: {  	v9 =	vadd.f32 v9, v29;
	[tilespmem:s9+$0xFFFFFF50] =	vst v15;
	v2 =	vld.idx.msk [tilespmem:v2+s2+$0x0], $0xffff  }
0x284: {  	v8 =	vadd.f32 v8, v25;
	[tilespmem:s9+$0xFFFFFF60] =	vst v16;
	v1 =	vld.idx.msk [tilespmem:v1+s2+$0x0], $0xffff  }
0x285: {  	s11 =	sadd.s32 $0x200, s11;
	v6 =	vadd.f32 v6, v23;
	[tilespmem:s9+$0xFFFFFF70] =	vst v9;
	v0 =	vld.idx.msk [tilespmem:v0+s2+$0x0], $0xffff  }
0x286: {  	[tilespmem:s9+$0xFFFFFF80] =	vst v8;
	v5 =	vadd.f32 v5, v7  }
0x287: {  	v4 =	vadd.f32 v4, v14;
	[tilespmem:s9+$0xFFFFFF90] =	vst v6  }
0x288: {  	v3 =	vadd.f32 v3, v13;
	[tilespmem:s9+$0xFFFFFFA0] =	vst v5  }
0x289: {  	[tilespmem:s9+$0xFFFFFFB0] =	vst v4;
	v2 =	vadd.f32 v2, v12  }
0x28a: {  	[tilespmem:s9+$0xFFFFFFC0] =	vst v3;
	v1 =	vadd.f32 v1, v11  }
0x28b: {  	[tilespmem:s9+$0xFFFFFFD0] =	vst v2;
	v0 =	vadd.f32 v0, v10  }
0x28c: {  	[tilespmem:s9+$0xFFFFFFE0] =	vst v1  }
0x28d: {  	s7 =	simm.s32 $0xEF00;
	[tilespmem:s9+$0xFFFFFFF0] =	vst v0  }
0x28e: {  	[hbm4b:s18+s5] =	stream.linear.scatter [tilespmem:s7], [sflag:$0x5], $0xD00, $0x38;
	[tilespmem:$0x10900] =	vst v63  }
0x28f: {  	_ =	swait.ge [sflag:s4], $0x1A00  }
0x290: {  	[sflag:s4] =	ssyncset.done $0x0  }
0x291: {  	[sflag:s4] =	ssyncadd.s32 $0xFFFFE600  }
0x292: {  	_ =	swait.ge [sflag:s4], $0xD00  }
0x293: {  	[sflag:s4] =	ssyncset.done $0x0  }
0x294: {  	[sflag:s4] =	ssyncadd.s32 $0xFFFFF300  }
0x295: {  	_ =	swait.ge [sflag:s4], $0xD00  }
0x296: {  	[sflag:s4] =	ssyncset.done $0x0  }
0x297: {  	s11 =	simm.s32 $0x100;
	[sflag:s4] =	ssyncadd.s32 $0xFFFFF300  }
0x298: {  	v0 =	vld [tilespmem:s11+$0x70]  }
0x299: {  	v1 =	vld [tilespmem:s11+$0xF0]  }
0x29a: {  	s7 =	simm.s32 $0x3480;
	v2 =	vld [tilespmem:s11+$0xFFFFFF80]  }
0x29b: {  	v3 =	vld [tilespmem:s7+$0x70]  }
0x29c: {  	s8 =	simm.s32 $0x4E80;
	v4 =	vld [tilespmem:s11+$0xFFFFFF10]  }
0x29d: {  	v5 =	vld [tilespmem:s8+$0x70]  }
0x29e: {  	v6 =	vld [tilespmem:s11+$0xFFFFFF90]  }
0x29f: {  	v7 =	vld [tilespmem:s11+$0xFFFFFF20]  }
0x2a0: {  	v8 =	vld [tilespmem:s11+$0xFFFFFFA0]  }
0x2a1: {  	v9 =	vld [tilespmem:s11+$0xFFFFFF30]  }
0x2a2: {  	v10 =	vld [tilespmem:s11+$0xFFFFFFB0]  }
0x2a3: {  	v11 =	vld [tilespmem:s11+$0xFFFFFF40]  }
0x2a4: {  	v12 =	vld [tilespmem:s11+$0xFFFFFFC0]  }
0x2a5: {  	v13 =	vld [tilespmem:s11+$0xFFFFFF50]  }
0x2a6: {  	v14 =	vld [tilespmem:s11+$0xFFFFFFD0]  }
0x2a7: {  	v15 =	vld [tilespmem:s11+$0xFFFFFF60]  }
0x2a8: {  	v16 =	vld [tilespmem:s11+$0xFFFFFFE0]  }
0x2a9: {  	v17 =	vld [tilespmem:s11+$0xFFFFFF70]  }
0x2aa: {  	v18 =	vld [tilespmem:s11+$0xFFFFFFF0]  }
0x2ab: {  	v19 =	vld [tilespmem:s11+$0x0]  }
0x2ac: {  	v20 =	vld [tilespmem:s11+$0x80]  }
0x2ad: {  	v21 =	vld [tilespmem:s11+$0x10]  }
0x2ae: {  	v22 =	vld [tilespmem:s11+$0x90]  }
0x2af: {  	v23 =	vld [tilespmem:s11+$0x20]  }
0x2b0: {  	v24 =	vld [tilespmem:s11+$0xA0]  }
0x2b1: {  	v25 =	vld [tilespmem:s11+$0x30]  }
0x2b2: {  	v26 =	vld [tilespmem:s11+$0xB0]  }
0x2b3: {  	v27 =	vld [tilespmem:s11+$0x40]  }
0x2b4: {  	v28 =	vld [tilespmem:s11+$0xC0]  }
0x2b5: {  	v29 =	vld [tilespmem:s11+$0x50]  }
0x2b6: {  	v30 =	vld [tilespmem:s11+$0xD0]  }
0x2b7: {  	v31 =	vld [tilespmem:s11+$0x60]  }
0x2b8: {  	v32 =	vld [tilespmem:s11+$0xE0]  }
0x2b9: {  	v33 =	vld [tilespmem:s11+$0xFFFFFF00]  }
0x2ba: {  	v34 =	vld [tilespmem:s7+$0xFFFFFF80]  }
0x2bb: {  	v35 =	vld [tilespmem:s7+$0xFFFFFF90]  }
0x2bc: {  	v36 =	vld [tilespmem:s7+$0xFFFFFFA0]  }
0x2bd: {  	v37 =	vld [tilespmem:s7+$0xFFFFFFB0]  }
0x2be: {  	v38 =	vld [tilespmem:s7+$0xFFFFFFC0]  }
0x2bf: {  	v39 =	vld [tilespmem:s7+$0xFFFFFFD0]  }
0x2c0: {  	v40 =	vld [tilespmem:s7+$0xFFFFFFE0]  }
0x2c1: {  	v41 =	vld [tilespmem:s7+$0xFFFFFFF0]  }
0x2c2: {  	v42 =	vld [tilespmem:s7+$0x0]  }
0x2c3: {  	v43 =	vld [tilespmem:s7+$0x10]  }
0x2c4: {  	v44 =	vld [tilespmem:s7+$0x20]  }
0x2c5: {  	v45 =	vld [tilespmem:s7+$0x30]  }
0x2c6: {  	v46 =	vld [tilespmem:s7+$0x40]  }
0x2c7: {  	v47 =	vld [tilespmem:s7+$0x50]  }
0x2c8: {  	v48 =	vld [tilespmem:s7+$0x60]  }
0x2c9: {  	v49 =	vld [tilespmem:s8+$0xFFFFFF80]  }
0x2ca: {  	v50 =	vld [tilespmem:s8+$0xFFFFFF90]  }
0x2cb: {  	v51 =	vld [tilespmem:s8+$0xFFFFFFA0]  }
0x2cc: {  	v52 =	vld [tilespmem:s8+$0xFFFFFFB0]  }
0x2cd: {  	v53 =	vld [tilespmem:s8+$0xFFFFFFC0]  }
0x2ce: {  	v54 =	vld [tilespmem:s8+$0xFFFFFFD0]  }
0x2cf: {  	v55 =	vld [tilespmem:s8+$0xFFFFFFE0]  }
0x2d0: {  	v56 =	vld [tilespmem:s8+$0xFFFFFFF0]  }
0x2d1: {  	v57 =	vld [tilespmem:s8+$0x0]  }
0x2d2: {  	v58 =	vld [tilespmem:s8+$0x10]  }
0x2d3: {  	v59 =	vld [tilespmem:s8+$0x20]  }
0x2d4: {  	v60 =	vld [tilespmem:s8+$0x30]  }
0x2d5: {  	v61 =	vld [tilespmem:s8+$0x40]  }
0x2d6: {  	v62 =	vld [tilespmem:s8+$0x50]  }
0x2d7: {  	v63 =	vld [tilespmem:s8+$0x60]  }
0x2d8: {  	v0 =	vld.idx.msk [tilespmem:v0+s21+$0x0], $0xffff  }
0x2d9: {  	v1 =	vld.idx.msk [tilespmem:v1+s22+$0x0], $0xffff  }
0x2da: {  	v3 =	vld.idx.msk [tilespmem:v3+s23+$0x0], $0xffff  }
0x2db: {  	v5 =	vld.idx.msk [tilespmem:v5+s2+$0x0], $0xffff  }
0x2dc: {  	v33 =	vld.idx.msk [tilespmem:v33+s21+$0x0], $0xffff  }
0x2dd: {  	v2 =	vld.idx.msk [tilespmem:v2+s22+$0x0], $0xffff  }
0x2de: {  	v4 =	vld.idx.msk [tilespmem:v4+s21+$0x0], $0xffff  }
0x2df: {  	v6 =	vld.idx.msk [tilespmem:v6+s22+$0x0], $0xffff  }
0x2e0: {  	v7 =	vld.idx.msk [tilespmem:v7+s21+$0x0], $0xffff  }
0x2e1: {  	v8 =	vld.idx.msk [tilespmem:v8+s22+$0x0], $0xffff  }
0x2e2: {  	v9 =	vld.idx.msk [tilespmem:v9+s21+$0x0], $0xffff  }
0x2e3: {  	v10 =	vld.idx.msk [tilespmem:v10+s22+$0x0], $0xffff  }
0x2e4: {  	v11 =	vld.idx.msk [tilespmem:v11+s21+$0x0], $0xffff  }
0x2e5: {  	v12 =	vld.idx.msk [tilespmem:v12+s22+$0x0], $0xffff  }
0x2e6: {  	v13 =	vld.idx.msk [tilespmem:v13+s21+$0x0], $0xffff  }
0x2e7: {  	v14 =	vld.idx.msk [tilespmem:v14+s22+$0x0], $0xffff  }
0x2e8: {  	v15 =	vld.idx.msk [tilespmem:v15+s21+$0x0], $0xffff  }
0x2e9: {  	v16 =	vld.idx.msk [tilespmem:v16+s22+$0x0], $0xffff  }
0x2ea: {  	v17 =	vld.idx.msk [tilespmem:v17+s21+$0x0], $0xffff  }
0x2eb: {  	v18 =	vld.idx.msk [tilespmem:v18+s22+$0x0], $0xffff  }
0x2ec: {  	v19 =	vld.idx.msk [tilespmem:v19+s21+$0x0], $0xffff  }
0x2ed: {  	v20 =	vld.idx.msk [tilespmem:v20+s22+$0x0], $0xffff  }
0x2ee: {  	v21 =	vld.idx.msk [tilespmem:v21+s21+$0x0], $0xffff  }
0x2ef: {  	v22 =	vld.idx.msk [tilespmem:v22+s22+$0x0], $0xffff  }
0x2f0: {  	v23 =	vld.idx.msk [tilespmem:v23+s21+$0x0], $0xffff  }
0x2f1: {  	v24 =	vld.idx.msk [tilespmem:v24+s22+$0x0], $0xffff  }
0x2f2: {  	v25 =	vld.idx.msk [tilespmem:v25+s21+$0x0], $0xffff  }
0x2f3: {  	v26 =	vld.idx.msk [tilespmem:v26+s22+$0x0], $0xffff  }
0x2f4: {  	v27 =	vld.idx.msk [tilespmem:v27+s21+$0x0], $0xffff  }
0x2f5: {  	v28 =	vld.idx.msk [tilespmem:v28+s22+$0x0], $0xffff  }
0x2f6: {  	v29 =	vld.idx.msk [tilespmem:v29+s21+$0x0], $0xffff  }
0x2f7: {  	v30 =	vld.idx.msk [tilespmem:v30+s22+$0x0], $0xffff  }
0x2f8: {  	v31 =	vld.idx.msk [tilespmem:v31+s21+$0x0], $0xffff  }
0x2f9: {  	v32 =	vld.idx.msk [tilespmem:v32+s22+$0x0], $0xffff  }
0x2fa: {  	v34 =	vld.idx.msk [tilespmem:v34+s23+$0x0], $0xffff  }
0x2fb: {  	v35 =	vld.idx.msk [tilespmem:v35+s23+$0x0], $0xffff  }
0x2fc: {  	v36 =	vld.idx.msk [tilespmem:v36+s23+$0x0], $0xffff  }
0x2fd: {  	v37 =	vld.idx.msk [tilespmem:v37+s23+$0x0], $0xffff  }
0x2fe: {  	v38 =	vld.idx.msk [tilespmem:v38+s23+$0x0], $0xffff  }
0x2ff: {  	v0 =	vadd.f32 v1, v0;
	v1 =	vld.idx.msk [tilespmem:v40+s23+$0x0], $0xffff  }
0x300: {  	v40 =	vld.idx.msk [tilespmem:v41+s23+$0x0], $0xffff  }
0x301: {  	v41 =	vld.idx.msk [tilespmem:v43+s23+$0x0], $0xffff  }
0x302: {  	v2 =	vadd.f32 v2, v33;
	v33 =	vld.idx.msk [tilespmem:v44+s23+$0x0], $0xffff  }
0x303: {  	v4 =	vadd.f32 v6, v4;
	v6 =	vld.idx.msk [tilespmem:v45+s23+$0x0], $0xffff  }
0x304: {  	v43 =	vadd.f32 v24, v23;
	v44 =	vld.idx.msk [tilespmem:v49+s2+$0x0], $0xffff  }
0x305: {  	v45 =	vadd.f32 v26, v25;
	v0 =	vadd.f32 v3, v0;
	v3 =	vld.idx.msk [tilespmem:v42+s23+$0x0], $0xffff  }
0x306: {  	v49 =	vadd.f32 v32, v31;
	v42 =	vld.idx.msk [tilespmem:v48+s23+$0x0], $0xffff;
	v48 =	vadd.f32 v30, v29  }
0x307: {  	v39 =	vld.idx.msk [tilespmem:v39+s23+$0x0], $0xffff;
	v2 =	vadd.f32 v34, v2;
	v4 =	vadd.f32 v35, v4  }
0x308: {  	v53 =	vld.idx.msk [tilespmem:v53+s2+$0x0], $0xffff;
	v0 =	vadd.f32 v5, v0;
	v5 =	vadd.f32 v8, v7  }
0x309: {  	v7 =	vadd.f32 v10, v9;
	v8 =	vadd.f32 v12, v11;
	v9 =	vld.idx.msk [tilespmem:v46+s23+$0x0], $0xffff  }
0x30a: {  	v10 =	vadd.f32 v14, v13;
	v11 =	vadd.f32 v16, v15;
	v15 =	vld.idx.msk [tilespmem:v47+s23+$0x0], $0xffff  }
0x30b: {  	v12 =	vadd.f32 v18, v17;
	v13 =	vadd.f32 v20, v19;
	v47 =	vld.idx.msk [tilespmem:v50+s2+$0x0], $0xffff  }
0x30c: {  	v14 =	vadd.f32 v22, v21;
	v46 =	vadd.f32 v28, v27;
	v50 =	vld.idx.msk [tilespmem:v51+s2+$0x0], $0xffff  }
0x30d: {  	v51 =	vld.idx.msk [tilespmem:v52+s2+$0x0], $0xffff;
	v2 =	vadd.f32 v44, v2;
	v5 =	vadd.f32 v36, v5  }
0x30e: {  	v54 =	vld.idx.msk [tilespmem:v54+s2+$0x0], $0xffff;
	v52 =	vadd.f32 v37, v7;
	v8 =	vadd.f32 v38, v8  }
0x30f: {  	s9 =	simm.s32 $0xFCF0;
	v57 =	vld.idx.msk [tilespmem:v57+s2+$0x0], $0xffff;
	v10 =	vadd.f32 v39, v10;
	v1 =	vadd.f32 v1, v11  }
0x310: {  	v11 =	vld.idx.msk [tilespmem:v55+s2+$0x0], $0xffff;
	[tilespmem:s9+$0x0] =	vst v0;
	v0 =	vadd.f32 v40, v12;
	v4 =	vadd.f32 v47, v4  }
0x311: {  	v55 =	vld.idx.msk [tilespmem:v56+s2+$0x0], $0xffff;
	v7 =	vadd.f32 v41, v14;
	[tilespmem:s9+$0xFFFFFF10] =	vst v2;
	v2 =	vadd.f32 v50, v5  }
0x312: {  	v56 =	vadd.f32 v3, v13;
	v3 =	vadd.f32 v51, v52;
	v5 =	vld.idx.msk [tilespmem:v58+s2+$0x0], $0xffff;
	[tilespmem:s9+$0xFFFFFF20] =	vst v4  }
0x313: {  	v13 =	vadd.f32 v6, v45;
	v6 =	vadd.f32 v54, v10;
	[tilespmem:s9+$0xFFFFFF30] =	vst v2;
	v4 =	vld.idx.msk [tilespmem:v59+s2+$0x0], $0xffff  }
0x314: {  	v14 =	vadd.f32 v33, v43;
	v2 =	vadd.f32 v53, v8;
	[tilespmem:s9+$0xFFFFFF40] =	vst v3;
	v3 =	vld.idx.msk [tilespmem:v60+s2+$0x0], $0xffff  }
0x315: {  	v12 =	vadd.f32 v9, v46;
	[tilespmem:s9+$0xFFFFFF60] =	vst v6;
	v9 =	vadd.f32 v11, v1;
	v1 =	vld.idx.msk [tilespmem:v62+s2+$0x0], $0xffff  }
0x316: {  	v10 =	vadd.f32 v42, v49;
	v8 =	vadd.f32 v55, v0;
	[tilespmem:s9+$0xFFFFFF50] =	vst v2;
	v2 =	vld.idx.msk [tilespmem:v61+s2+$0x0], $0xffff  }
0x317: {  	s10 =	simm.s32 $0x0;
	s11 =	simm.s32 $0x300;
	v6 =	vadd.f32 v57, v56;
	v11 =	vadd.f32 v15, v48;
	v0 =	vld.idx.msk [tilespmem:v63+s2+$0x0], $0xffff;
	[tilespmem:s9+$0xFFFFFF70] =	vst v9  }
.LBB2_6:
0x318: {  	v9 =	vld [tilespmem:s11+$0x70];
	[tilespmem:s9+$0xFFFFFF80] =	vst v8;
	v5 =	vadd.f32 v5, v7  }
0x319: {  	s10 =	sadd.s32 $0x100, s10;
	v4 =	vadd.f32 v4, v14;
	v8 =	vld [tilespmem:s11+$0xF0];
	[tilespmem:s9+$0xFFFFFF90] =	vst v6  }
0x31a: {  	s7 =	sadd.s32 $0x100, s7;
	p1 =	slt.u32 s10, $0xC00;
	v3 =	vadd.f32 v3, v13;
	v7 =	vld [tilespmem:s11+$0xFFFFFF80];
	[tilespmem:s9+$0xFFFFFFA0] =	vst v5  }
0x31b: {  	v2 =	vadd.f32 v2, v12;
	v5 =	vld [tilespmem:s7+$0x70];
	[tilespmem:s9+$0xFFFFFFB0] =	vst v4  }
0x31c: {  	s8 =	sadd.s32 $0x100, s8;
	v1 =	vadd.f32 v1, v11;
	v16 =	vld [tilespmem:s11+$0xFFFFFF10];
	[tilespmem:s9+$0xFFFFFFC0] =	vst v3  }
0x31d: {  	v0 =	vadd.f32 v0, v10;
	v3 =	vld [tilespmem:s8+$0x70];
	[tilespmem:s9+$0xFFFFFFD0] =	vst v2  }
0x31e: {  	v24 =	vld [tilespmem:s11+$0xFFFFFF90];
	[tilespmem:s9+$0xFFFFFFE0] =	vst v1  }
0x31f: {  	v26 =	vld [tilespmem:s11+$0xFFFFFF20];
	[tilespmem:s9+$0xFFFFFFF0] =	vst v0  }
0x320: {  	v0 =	vld.idx.msk [tilespmem:v9+s21+$0x0], $0xffff  }
0x321: {  	v1 =	vld.idx.msk [tilespmem:v8+s22+$0x0], $0xffff  }
0x322: {  	v39 =	vld [tilespmem:s11+$0xFFFFFFA0]  }
0x323: {  	v2 =	vld.idx.msk [tilespmem:v5+s23+$0x0], $0xffff  }
0x324: {  	v44 =	vld [tilespmem:s11+$0xFFFFFF30]  }
0x325: {  	v3 =	vld.idx.msk [tilespmem:v3+s2+$0x0], $0xffff  }
0x326: {  	v47 =	vld [tilespmem:s11+$0xFFFFFFB0]  }
0x327: {  	v0 =	vadd.f32 v1, v0;
	v48 =	vld [tilespmem:s11+$0xFFFFFF40]  }
0x328: {  	v49 =	vld [tilespmem:s11+$0xFFFFFFC0]  }
0x329: {  	v0 =	vadd.f32 v2, v0;
	v50 =	vld [tilespmem:s11+$0xFFFFFF50]  }
0x32a: {  	v51 =	vld [tilespmem:s11+$0xFFFFFFD0]  }
0x32b: {  	v0 =	vadd.f32 v3, v0;
	v52 =	vld [tilespmem:s11+$0xFFFFFF60]  }
0x32c: {  	s9 =	sadd.s32 $0x100, s9;
	v53 =	vld [tilespmem:s11+$0xFFFFFFE0]  }
0x32d: {  	v54 =	vld [tilespmem:s11+$0xFFFFFF70];
	[tilespmem:s9+$0x0] =	vst v0  }
0x32e: {  	v55 =	vld [tilespmem:s11+$0xFFFFFFF0]  }
0x32f: {  	v56 =	vld [tilespmem:s11+$0x0]  }
0x330: {  	v57 =	vld [tilespmem:s11+$0x80]  }
0x331: {  	v58 =	vld [tilespmem:s11+$0x10]  }
0x332: {  	v45 =	vld [tilespmem:s11+$0x90]  }
0x333: {  	v46 =	vld [tilespmem:s11+$0x20]  }
0x334: {  	v42 =	vld [tilespmem:s11+$0xA0]  }
0x335: {  	v43 =	vld [tilespmem:s11+$0x30]  }
0x336: {  	v40 =	vld [tilespmem:s11+$0xB0]  }
0x337: {  	v41 =	vld [tilespmem:s11+$0x40]  }
0x338: {  	v37 =	vld [tilespmem:s11+$0xC0]  }
0x339: {  	v38 =	vld [tilespmem:s11+$0x50]  }
0x33a: {  	v33 =	vld [tilespmem:s11+$0xD0]  }
0x33b: {  	v34 =	vld [tilespmem:s11+$0x60]  }
0x33c: {  	v30 =	vld [tilespmem:s11+$0xE0]  }
0x33d: {  	v59 =	vld [tilespmem:s11+$0xFFFFFF00]  }
0x33e: {  	v35 =	vld [tilespmem:s7+$0xFFFFFF80]  }
0x33f: {  	v36 =	vld [tilespmem:s7+$0xFFFFFF90]  }
0x340: {  	v31 =	vld [tilespmem:s7+$0xFFFFFFA0]  }
0x341: {  	v32 =	vld [tilespmem:s7+$0xFFFFFFB0]  }
0x342: {  	v28 =	vld [tilespmem:s7+$0xFFFFFFC0]  }
0x343: {  	v29 =	vld [tilespmem:s7+$0xFFFFFFD0]  }
0x344: {  	v27 =	vld [tilespmem:s7+$0xFFFFFFE0]  }
0x345: {  	v25 =	vld [tilespmem:s7+$0xFFFFFFF0]  }
0x346: {  	v23 =	vld [tilespmem:s7+$0x0]  }
0x347: {  	v22 =	vld [tilespmem:s7+$0x10]  }
0x348: {  	v21 =	vld [tilespmem:s7+$0x20]  }
0x349: {  	v20 =	vld [tilespmem:s7+$0x30]  }
0x34a: {  	v19 =	vld [tilespmem:s7+$0x40]  }
0x34b: {  	v18 =	vld [tilespmem:s7+$0x50]  }
0x34c: {  	v17 =	vld [tilespmem:s7+$0x60]  }
0x34d: {  	v15 =	vld [tilespmem:s8+$0xFFFFFF80]  }
0x34e: {  	v14 =	vld [tilespmem:s8+$0xFFFFFF90]  }
0x34f: {  	v13 =	vld [tilespmem:s8+$0xFFFFFFA0]  }
0x350: {  	v12 =	vld [tilespmem:s8+$0xFFFFFFB0]  }
0x351: {  	v11 =	vld [tilespmem:s8+$0xFFFFFFC0]  }
0x352: {  	v10 =	vld [tilespmem:s8+$0xFFFFFFD0]  }
0x353: {  	v9 =	vld [tilespmem:s8+$0xFFFFFFE0]  }
0x354: {  	v8 =	vld [tilespmem:s8+$0xFFFFFFF0]  }
0x355: {  	v6 =	vld [tilespmem:s8+$0x0]  }
0x356: {  	v5 =	vld [tilespmem:s8+$0x10]  }
0x357: {  	v4 =	vld [tilespmem:s8+$0x20]  }
0x358: {  	v3 =	vld [tilespmem:s8+$0x30]  }
0x359: {  	v2 =	vld [tilespmem:s8+$0x40]  }
0x35a: {  	v1 =	vld [tilespmem:s8+$0x50]  }
0x35b: {  	v0 =	vld [tilespmem:s8+$0x60]  }
0x35c: {  	v59 =	vld.idx.msk [tilespmem:v59+s21+$0x0], $0xffff  }
0x35d: {  	v7 =	vld.idx.msk [tilespmem:v7+s22+$0x0], $0xffff  }
0x35e: {  	v16 =	vld.idx.msk [tilespmem:v16+s21+$0x0], $0xffff  }
0x35f: {  	v24 =	vld.idx.msk [tilespmem:v24+s22+$0x0], $0xffff  }
0x360: {  	v26 =	vld.idx.msk [tilespmem:v26+s21+$0x0], $0xffff  }
0x361: {  	v39 =	vld.idx.msk [tilespmem:v39+s22+$0x0], $0xffff  }
0x362: {  	v44 =	vld.idx.msk [tilespmem:v44+s21+$0x0], $0xffff  }
0x363: {  	v7 =	vadd.f32 v7, v59;
	v47 =	vld.idx.msk [tilespmem:v47+s22+$0x0], $0xffff  }
0x364: {  	v48 =	vld.idx.msk [tilespmem:v48+s21+$0x0], $0xffff  }
0x365: {  	v16 =	vadd.f32 v24, v16;
	v24 =	vld.idx.msk [tilespmem:v49+s22+$0x0], $0xffff  }
0x366: {  	v49 =	vld.idx.msk [tilespmem:v50+s21+$0x0], $0xffff  }
0x367: {  	v26 =	vadd.f32 v39, v26;
	v39 =	vld.idx.msk [tilespmem:v51+s22+$0x0], $0xffff  }
0x368: {  	v50 =	vld.idx.msk [tilespmem:v52+s21+$0x0], $0xffff  }
0x369: {  	v44 =	vadd.f32 v47, v44;
	v47 =	vld.idx.msk [tilespmem:v53+s22+$0x0], $0xffff  }
0x36a: {  	v51 =	vld.idx.msk [tilespmem:v54+s21+$0x0], $0xffff  }
0x36b: {  	v24 =	vadd.f32 v24, v48;
	v48 =	vld.idx.msk [tilespmem:v55+s22+$0x0], $0xffff  }
0x36c: {  	v52 =	vld.idx.msk [tilespmem:v56+s21+$0x0], $0xffff  }
0x36d: {  	v39 =	vadd.f32 v39, v49;
	v49 =	vld.idx.msk [tilespmem:v57+s22+$0x0], $0xffff  }
0x36e: {  	v53 =	vld.idx.msk [tilespmem:v58+s21+$0x0], $0xffff  }
0x36f: {  	v47 =	vadd.f32 v47, v50;
	v45 =	vld.idx.msk [tilespmem:v45+s22+$0x0], $0xffff  }
0x370: {  	v46 =	vld.idx.msk [tilespmem:v46+s21+$0x0], $0xffff  }
0x371: {  	v48 =	vadd.f32 v48, v51;
	v42 =	vld.idx.msk [tilespmem:v42+s22+$0x0], $0xffff  }
0x372: {  	v43 =	vld.idx.msk [tilespmem:v43+s21+$0x0], $0xffff  }
0x373: {  	v49 =	vadd.f32 v49, v52;
	v40 =	vld.idx.msk [tilespmem:v40+s22+$0x0], $0xffff  }
0x374: {  	v41 =	vld.idx.msk [tilespmem:v41+s21+$0x0], $0xffff  }
0x375: {  	v45 =	vadd.f32 v45, v53;
	v37 =	vld.idx.msk [tilespmem:v37+s22+$0x0], $0xffff  }
0x376: {  	v38 =	vld.idx.msk [tilespmem:v38+s21+$0x0], $0xffff  }
0x377: {  	v42 =	vadd.f32 v42, v46;
	v33 =	vld.idx.msk [tilespmem:v33+s22+$0x0], $0xffff  }
0x378: {  	v34 =	vld.idx.msk [tilespmem:v34+s21+$0x0], $0xffff  }
0x379: {  	v40 =	vadd.f32 v40, v43;
	v30 =	vld.idx.msk [tilespmem:v30+s22+$0x0], $0xffff  }
0x37a: {  	v35 =	vld.idx.msk [tilespmem:v35+s23+$0x0], $0xffff  }
0x37b: {  	v37 =	vadd.f32 v37, v41;
	v36 =	vld.idx.msk [tilespmem:v36+s23+$0x0], $0xffff  }
0x37c: {  	v31 =	vld.idx.msk [tilespmem:v31+s23+$0x0], $0xffff  }
0x37d: {  	v33 =	vadd.f32 v33, v38;
	v32 =	vld.idx.msk [tilespmem:v32+s23+$0x0], $0xffff  }
0x37e: {  	v28 =	vld.idx.msk [tilespmem:v28+s23+$0x0], $0xffff  }
0x37f: {  	v30 =	vadd.f32 v30, v34;
	v29 =	vld.idx.msk [tilespmem:v29+s23+$0x0], $0xffff  }
0x380: {  	v34 =	vadd.f32 v35, v7;
	v7 =	vld.idx.msk [tilespmem:v27+s23+$0x0], $0xffff  }
0x381: {  	v16 =	vadd.f32 v36, v16;
	v25 =	vld.idx.msk [tilespmem:v25+s23+$0x0], $0xffff  }
0x382: {  	v26 =	vadd.f32 v31, v26;
	v23 =	vld.idx.msk [tilespmem:v23+s23+$0x0], $0xffff  }
0x383: {  	v27 =	vadd.f32 v32, v44;
	v22 =	vld.idx.msk [tilespmem:v22+s23+$0x0], $0xffff  }
0x384: {  	v24 =	vadd.f32 v28, v24;
	v21 =	vld.idx.msk [tilespmem:v21+s23+$0x0], $0xffff  }
0x385: {  	v28 =	vadd.f32 v29, v39;
	v20 =	vld.idx.msk [tilespmem:v20+s23+$0x0], $0xffff  }
0x386: {  	v29 =	vadd.f32 v7, v47;
	v19 =	vld.idx.msk [tilespmem:v19+s23+$0x0], $0xffff  }
0x387: {  	v25 =	vadd.f32 v25, v48;
	v18 =	vld.idx.msk [tilespmem:v18+s23+$0x0], $0xffff  }
0x388: {  	v23 =	vadd.f32 v23, v49;
	v17 =	vld.idx.msk [tilespmem:v17+s23+$0x0], $0xffff  }
0x389: {  	v7 =	vadd.f32 v22, v45;
	v15 =	vld.idx.msk [tilespmem:v15+s2+$0x0], $0xffff  }
0x38a: {  	v22 =	vld.idx.msk [tilespmem:v14+s2+$0x0], $0xffff;
	v14 =	vadd.f32 v21, v42  }
0x38b: {  	v21 =	vld.idx.msk [tilespmem:v13+s2+$0x0], $0xffff;
	v13 =	vadd.f32 v20, v40  }
0x38c: {  	v20 =	vld.idx.msk [tilespmem:v12+s2+$0x0], $0xffff;
	v12 =	vadd.f32 v19, v37  }
0x38d: {  	v19 =	vld.idx.msk [tilespmem:v11+s2+$0x0], $0xffff;
	v11 =	vadd.f32 v18, v33  }
0x38e: {  	v18 =	vld.idx.msk [tilespmem:v10+s2+$0x0], $0xffff;
	v10 =	vadd.f32 v17, v30  }
0x38f: {  	v15 =	vadd.f32 v15, v34;
	v9 =	vld.idx.msk [tilespmem:v9+s2+$0x0], $0xffff  }
0x390: {  	v16 =	vadd.f32 v22, v16;
	v8 =	vld.idx.msk [tilespmem:v8+s2+$0x0], $0xffff  }
0x391: {  	[tilespmem:s9+$0xFFFFFF10] =	vst v15;
	v15 =	vadd.f32 v21, v26;
	v6 =	vld.idx.msk [tilespmem:v6+s2+$0x0], $0xffff  }
0x392: {  	[tilespmem:s9+$0xFFFFFF20] =	vst v16;
	v16 =	vadd.f32 v20, v27;
	v5 =	vld.idx.msk [tilespmem:v5+s2+$0x0], $0xffff  }
.Ltmp4:
0x393: {  	[tilespmem:s9+$0xFFFFFF30] =	vst v15;
	v15 =	vadd.f32 v19, v24;
	v4 =	vld.idx.msk [tilespmem:v4+s2+$0x0], $0xffff;
	(pc) =	sbr.rel @p1 .LBB2_6-.Ltmp4, $4  }
0x394: {  	[tilespmem:s9+$0xFFFFFF40] =	vst v16;
	v16 =	vadd.f32 v18, v28;
	v3 =	vld.idx.msk [tilespmem:v3+s2+$0x0], $0xffff  }
0x395: {  	v9 =	vadd.f32 v9, v29;
	[tilespmem:s9+$0xFFFFFF50] =	vst v15;
	v2 =	vld.idx.msk [tilespmem:v2+s2+$0x0], $0xffff  }
0x396: {  	v8 =	vadd.f32 v8, v25;
	[tilespmem:s9+$0xFFFFFF60] =	vst v16;
	v1 =	vld.idx.msk [tilespmem:v1+s2+$0x0], $0xffff  }
0x397: {  	s11 =	sadd.s32 $0x200, s11;
	v6 =	vadd.f32 v6, v23;
	[tilespmem:s9+$0xFFFFFF70] =	vst v9;
	v0 =	vld.idx.msk [tilespmem:v0+s2+$0x0], $0xffff  }
0x398: {  	[tilespmem:s9+$0xFFFFFF80] =	vst v8;
	v5 =	vadd.f32 v5, v7  }
0x399: {  	v4 =	vadd.f32 v4, v14;
	[tilespmem:s9+$0xFFFFFF90] =	vst v6  }
0x39a: {  	v3 =	vadd.f32 v3, v13;
	[tilespmem:s9+$0xFFFFFFA0] =	vst v5  }
0x39b: {  	[tilespmem:s9+$0xFFFFFFB0] =	vst v4;
	v2 =	vadd.f32 v2, v12  }
0x39c: {  	[tilespmem:s9+$0xFFFFFFC0] =	vst v3;
	v1 =	vadd.f32 v1, v11  }
0x39d: {  	[tilespmem:s9+$0xFFFFFFD0] =	vst v2;
	v0 =	vadd.f32 v0, v10  }
0x39e: {  	[tilespmem:s9+$0xFFFFFFE0] =	vst v1  }
0x39f: {  	s7 =	simm.s32 $0xFC00;
	[tilespmem:s9+$0xFFFFFFF0] =	vst v0  }
0x3a0: {  	[hbm4b:s19+s5] =	stream.linear.scatter [tilespmem:s7], [sflag:$0x5], $0xD00, $0x38;
	[tilespmem:$0x10900] =	vst v63  }
0x3a1: {  	_ =	swait.ge [sflag:s3], $0xD00  }
0x3a2: {  	[sflag:s3] =	ssyncset.done $0x0  }
0x3a3: {  	[sflag:s3] =	ssyncadd.s32 $0xFFFFF300  }
0x3a4: {  	_ =	swait.ge [sflag:s3], $0xD00  }
.Ltmp5:
0x3a5: {  	[sflag:s3] =	ssyncset.done $0x0;
	(pc) =	sbr.rel @p0 .LBB2_11-.Ltmp5, $4  }
0x3a6: {  	[sflag:s3] =	ssyncadd.s32 $0xFFFFF300  }
0x3a7: {  	_ =	swait.ge [sflag:s3], $0xD00  }
0x3a8: {  	[sflag:s3] =	ssyncset.done $0x0  }
0x3a9: {  	[sflag:s3] =	ssyncadd.s32 $0xFFFFF300  }
0x3aa: {  	s7 =	simm.s32 $0x0;
	s8 =	rddreg [dreg:$0xe]  }
0x3ab: {  	[tilespmem:s7], [sflag:$0x1] =	stream.linear.gather [hbm4b:s8+s7], $0x400, $0x38;
	[tilespmem:$0x10900] =	vst v63  }
0x3ac: {  	s10 =	rddreg [dreg:$0xf]  }
0x3ad: {  	[tilespmem:s28], [sflag:$0x1] =	stream.linear.gather [hbm4b:s10+s7], $0x200, $0x38;
	[tilespmem:$0x10900] =	vst v63  }
0x3ae: {  	s11 =	rddreg [dreg:$0x10]  }
0x3af: {  	[tilespmem:s29], [sflag:$0x1] =	stream.linear.gather [hbm4b:s11+s7], $0x200, $0x38;
	[tilespmem:$0x10900] =	vst v63  }
0x3b0: {  	_ =	swait.ge [sflag:s4], $0x400  }
0x3b1: {  	[sflag:s4] =	ssyncset.done $0x0  }
0x3b2: {  	[sflag:s4] =	ssyncadd.s32 $0xFFFFFC00  }
0x3b3: {  	_ =	swait.ge [sflag:s4], $0x200  }
0x3b4: {  	[sflag:s4] =	ssyncset.done $0x0  }
0x3b5: {  	[sflag:s4] =	ssyncadd.s32 $0xFFFFFE00  }
0x3b6: {  	_ =	swait.ge [sflag:s4], $0x200  }
0x3b7: {  	[sflag:s4] =	ssyncset.done $0x0  }
0x3b8: {  	p1 =	por $0x1, $0x1;
	[sflag:s4] =	ssyncadd.s32 $0xFFFFFE00  }
.LBB2_9:
0x3b9: {  	v2 =	vld [tilespmem:s7+$0x3400]  }
0x3ba: {  	v17 =	vld [tilespmem:s7+$0x4E00]  }
0x3bb: {  	v34 =	vld [tilespmem:s7+$0x3410]  }
0x3bc: {  	v35 =	vld [tilespmem:s7+$0x4E10]  }
0x3bd: {  	v36 =	vld [tilespmem:s7+$0x3420]  }
0x3be: {  	v37 =	vld [tilespmem:s7+$0x4E20]  }
0x3bf: {  	v38 =	vld [tilespmem:s7+$0x3430]  }
0x3c0: {  	v39 =	vld [tilespmem:s7+$0x4E30]  }
0x3c1: {  	v40 =	vld [tilespmem:s7+$0x3440]  }
0x3c2: {  	v41 =	vld [tilespmem:s7+$0x4E40]  }
0x3c3: {  	v42 =	vld [tilespmem:s7+$0x3450]  }
0x3c4: {  	v43 =	vld [tilespmem:s7+$0x4E50]  }
0x3c5: {  	v44 =	vld [tilespmem:s7+$0x3460]  }
0x3c6: {  	v45 =	vld [tilespmem:s7+$0x4E60]  }
0x3c7: {  	s8 =	sshll.u32 s7, $0x1;
	v46 =	vld [tilespmem:s7+$0x3470]  }
0x3c8: {  	v47 =	vld [tilespmem:s7+$0x4E70];
	s9 =	sand.u32 $0x3FFFFFFE, s8  }
0x3c9: {  	v0 =	vld [tilespmem:s9+$0x0]  }
0x3ca: {  	v1 =	vld [tilespmem:s9+$0x80]  }
0x3cb: {  	v3 =	vld [tilespmem:s9+$0x10]  }
0x3cc: {  	v4 =	vld [tilespmem:s9+$0x90]  }
0x3cd: {  	v5 =	vld [tilespmem:s9+$0x20]  }
0x3ce: {  	v6 =	vld [tilespmem:s9+$0xA0]  }
0x3cf: {  	v7 =	vld [tilespmem:s9+$0x30]  }
0x3d0: {  	v8 =	vld [tilespmem:s9+$0xB0]  }
0x3d1: {  	v9 =	vld [tilespmem:s9+$0x40]  }
0x3d2: {  	v10 =	vld [tilespmem:s9+$0xC0]  }
0x3d3: {  	v11 =	vld [tilespmem:s9+$0x50]  }
0x3d4: {  	v12 =	vld [tilespmem:s9+$0xD0]  }
0x3d5: {  	v13 =	vld [tilespmem:s9+$0x60]  }
0x3d6: {  	s10 =	sshrl.u32 s7, $0x7;
	v14 =	vld [tilespmem:s9+$0xE0]  }
0x3d7: {  	s8 =	sor.u32 $0x1, s10;
	v15 =	vld [tilespmem:s9+$0x70]  }
0x3d8: {  	v16 =	vld [tilespmem:s9+$0xF0];
	s11 =	sshll.u32 s8, $0x8;
	s8 =	sshll.u32 s8, $0x7  }
0x3d9: {  	v48 =	vld [tilespmem:s8+$0x3400]  }
0x3da: {  	v49 =	vld [tilespmem:s8+$0x4E00]  }
0x3db: {  	v50 =	vld [tilespmem:s8+$0x3410]  }
0x3dc: {  	v51 =	vld [tilespmem:s8+$0x4E10]  }
0x3dd: {  	v52 =	vld [tilespmem:s8+$0x3420]  }
0x3de: {  	v53 =	vld [tilespmem:s8+$0x4E20]  }
0x3df: {  	v54 =	vld [tilespmem:s8+$0x3430]  }
0x3e0: {  	v55 =	vld [tilespmem:s8+$0x4E30]  }
0x3e1: {  	v56 =	vld [tilespmem:s8+$0x3440]  }
0x3e2: {  	v57 =	vld [tilespmem:s8+$0x4E40]  }
0x3e3: {  	v58 =	vld [tilespmem:s8+$0x3450]  }
0x3e4: {  	v63 =	vld [tilespmem:s8+$0x4E50]  }
0x3e5: {  	s9 =	sand.u32 $0x3FFFFF00, s11;
	v62 =	vld [tilespmem:s8+$0x3460]  }
0x3e6: {  	v18 =	vld [tilespmem:s9+$0x0]  }
0x3e7: {  	v19 =	vld [tilespmem:s9+$0x80]  }
0x3e8: {  	v20 =	vld [tilespmem:s9+$0x10]  }
0x3e9: {  	v21 =	vld [tilespmem:s9+$0x90]  }
0x3ea: {  	v22 =	vld [tilespmem:s9+$0x20]  }
0x3eb: {  	v23 =	vld [tilespmem:s9+$0xA0]  }
0x3ec: {  	v24 =	vld [tilespmem:s9+$0x30]  }
0x3ed: {  	v25 =	vld [tilespmem:s9+$0xB0]  }
0x3ee: {  	v26 =	vld [tilespmem:s9+$0x40]  }
0x3ef: {  	v27 =	vld [tilespmem:s9+$0xC0]  }
0x3f0: {  	v28 =	vld [tilespmem:s9+$0x50]  }
0x3f1: {  	v29 =	vld [tilespmem:s9+$0xD0]  }
0x3f2: {  	v30 =	vld [tilespmem:s9+$0x60]  }
0x3f3: {  	v31 =	vld [tilespmem:s9+$0xE0]  }
0x3f4: {  	v32 =	vld [tilespmem:s9+$0x70]  }
0x3f5: {  	v33 =	vld [tilespmem:s9+$0xF0]  }
0x3f6: {  	v2 =	vld.idx.msk [tilespmem:v2+s23+$0x0], $0xffff  }
0x3f7: {  	v17 =	vld.idx.msk [tilespmem:v17+s2+$0x0], $0xffff  }
0x3f8: {  	v34 =	vld.idx.msk [tilespmem:v34+s23+$0x0], $0xffff  }
0x3f9: {  	v35 =	vld.idx.msk [tilespmem:v35+s2+$0x0], $0xffff  }
0x3fa: {  	v36 =	vld.idx.msk [tilespmem:v36+s23+$0x0], $0xffff  }
0x3fb: {  	v37 =	vld.idx.msk [tilespmem:v37+s2+$0x0], $0xffff  }
0x3fc: {  	v38 =	vld.idx.msk [tilespmem:v38+s23+$0x0], $0xffff  }
0x3fd: {  	v39 =	vld.idx.msk [tilespmem:v39+s2+$0x0], $0xffff  }
0x3fe: {  	v40 =	vld.idx.msk [tilespmem:v40+s23+$0x0], $0xffff  }
0x3ff: {  	v41 =	vld.idx.msk [tilespmem:v41+s2+$0x0], $0xffff  }
0x400: {  	v42 =	vld.idx.msk [tilespmem:v42+s23+$0x0], $0xffff  }
0x401: {  	v43 =	vld.idx.msk [tilespmem:v43+s2+$0x0], $0xffff  }
0x402: {  	v44 =	vld.idx.msk [tilespmem:v44+s23+$0x0], $0xffff  }
0x403: {  	v45 =	vld.idx.msk [tilespmem:v45+s2+$0x0], $0xffff  }
0x404: {  	v46 =	vld.idx.msk [tilespmem:v46+s23+$0x0], $0xffff  }
0x405: {  	v47 =	vld.idx.msk [tilespmem:v47+s2+$0x0], $0xffff  }
0x406: {  	v0 =	vld.idx.msk [tilespmem:v0+s21+$0x0], $0xffff  }
0x407: {  	v1 =	vld.idx.msk [tilespmem:v1+s22+$0x0], $0xffff  }
0x408: {  	v3 =	vld.idx.msk [tilespmem:v3+s21+$0x0], $0xffff  }
0x409: {  	v4 =	vld.idx.msk [tilespmem:v4+s22+$0x0], $0xffff  }
0x40a: {  	v5 =	vld.idx.msk [tilespmem:v5+s21+$0x0], $0xffff  }
0x40b: {  	v6 =	vld.idx.msk [tilespmem:v6+s22+$0x0], $0xffff  }
0x40c: {  	v7 =	vld.idx.msk [tilespmem:v7+s21+$0x0], $0xffff  }
0x40d: {  	v8 =	vld.idx.msk [tilespmem:v8+s22+$0x0], $0xffff  }
0x40e: {  	v9 =	vld.idx.msk [tilespmem:v9+s21+$0x0], $0xffff  }
0x40f: {  	v10 =	vld.idx.msk [tilespmem:v10+s22+$0x0], $0xffff  }
0x410: {  	v11 =	vld.idx.msk [tilespmem:v11+s21+$0x0], $0xffff  }
0x411: {  	v12 =	vld.idx.msk [tilespmem:v12+s22+$0x0], $0xffff  }
0x412: {  	v13 =	vld.idx.msk [tilespmem:v13+s21+$0x0], $0xffff  }
0x413: {  	v14 =	vld.idx.msk [tilespmem:v14+s22+$0x0], $0xffff  }
0x414: {  	v15 =	vld.idx.msk [tilespmem:v15+s21+$0x0], $0xffff  }
0x415: {  	v16 =	vld.idx.msk [tilespmem:v16+s22+$0x0], $0xffff  }
0x416: {  	v48 =	vld.idx.msk [tilespmem:v48+s23+$0x0], $0xffff  }
0x417: {  	v49 =	vld.idx.msk [tilespmem:v49+s2+$0x0], $0xffff  }
0x418: {  	v50 =	vld.idx.msk [tilespmem:v50+s23+$0x0], $0xffff  }
0x419: {  	v51 =	vld.idx.msk [tilespmem:v51+s2+$0x0], $0xffff  }
0x41a: {  	v52 =	vld.idx.msk [tilespmem:v52+s23+$0x0], $0xffff  }
0x41b: {  	v53 =	vld.idx.msk [tilespmem:v53+s2+$0x0], $0xffff  }
0x41c: {  	v54 =	vld.idx.msk [tilespmem:v54+s23+$0x0], $0xffff  }
0x41d: {  	v55 =	vld.idx.msk [tilespmem:v55+s2+$0x0], $0xffff  }
0x41e: {  	v56 =	vld.idx.msk [tilespmem:v56+s23+$0x0], $0xffff  }
0x41f: {  	v60 =	vld.idx.msk [tilespmem:v58+s23+$0x0], $0xffff  }
0x420: {  	v18 =	vld.idx.msk [tilespmem:v18+s21+$0x0], $0xffff  }
0x421: {  	v19 =	vld.idx.msk [tilespmem:v19+s22+$0x0], $0xffff  }
0x422: {  	v20 =	vld.idx.msk [tilespmem:v20+s21+$0x0], $0xffff  }
0x423: {  	v21 =	vld.idx.msk [tilespmem:v21+s22+$0x0], $0xffff  }
0x424: {  	v22 =	vld.idx.msk [tilespmem:v22+s21+$0x0], $0xffff  }
0x425: {  	v23 =	vld.idx.msk [tilespmem:v23+s22+$0x0], $0xffff;
	v0 =	vadd.f32 v1, v0;
	v3 =	vadd.f32 v4, v3  }
0x426: {  	v4 =	vld.idx.msk [tilespmem:v26+s21+$0x0], $0xffff;
	v26 =	vadd.f32 v6, v5;
	v9 =	vadd.f32 v10, v9  }
0x427: {  	v24 =	vld.idx.msk [tilespmem:v24+s21+$0x0], $0xffff;
	v11 =	vadd.f32 v12, v11;
	v13 =	vadd.f32 v14, v13  }
0x428: {  	v25 =	vld.idx.msk [tilespmem:v25+s22+$0x0], $0xffff;
	v61 =	vadd.f32 v16, v15;
	v0 =	vadd.f32 v2, v0  }
0x429: {  	v59 =	vld.idx.msk [tilespmem:v29+s22+$0x0], $0xffff;
	v3 =	vadd.f32 v34, v3;
	v34 =	vadd.f32 v8, v7  }
0x42a: {  	v5 =	vld.idx.msk [tilespmem:v27+s22+$0x0], $0xffff;
	v2 =	vadd.f32 v36, v26;
	v9 =	vadd.f32 v40, v9  }
0x42b: {  	v1 =	vld.idx.msk [tilespmem:v63+s2+$0x0], $0xffff;
	v11 =	vadd.f32 v42, v11;
	v13 =	vadd.f32 v44, v13  }
0x42c: {  	v63 =	vld [tilespmem:s8+$0x3470];
	v14 =	vadd.f32 v46, v61;
	v40 =	vadd.f32 v23, v22  }
0x42d: {  	v8 =	vld.idx.msk [tilespmem:v57+s2+$0x0], $0xffff;
	v0 =	vadd.f32 v17, v0;
	v3 =	vadd.f32 v35, v3  }
0x42e: {  	v57 =	vld.idx.msk [tilespmem:v28+s21+$0x0], $0xffff;
	v6 =	vadd.f32 v38, v34;
	v2 =	vadd.f32 v37, v2  }
0x42f: {  	v28 =	vld [tilespmem:s8+$0x4E60];
	v9 =	vadd.f32 v41, v9;
	v11 =	vadd.f32 v43, v11  }
0x430: {  	v29 =	vadd.f32 v45, v13;
	v34 =	vadd.f32 v19, v18;
	v35 =	vld [tilespmem:s8+$0x4E70];
	[tilespmem:s7+$0xE200] =	vst v0  }
0x431: {  	v44 =	vld.idx.msk [tilespmem:v32+s21+$0x0], $0xffff;
	v36 =	vadd.f32 v47, v14;
	v37 =	vadd.f32 v21, v20;
	[tilespmem:s7+$0xE210] =	vst v3  }
0x432: {  	v38 =	vld.idx.msk [tilespmem:v30+s21+$0x0], $0xffff;
	v43 =	vadd.f32 v25, v24;
	v45 =	vadd.f32 v52, v40;
	[tilespmem:s7+$0xE220] =	vst v2  }
0x433: {  	v41 =	vld.idx.msk [tilespmem:v31+s22+$0x0], $0xffff;
	v4 =	vadd.f32 v5, v4;
	v6 =	vadd.f32 v39, v6;
	[tilespmem:s7+$0xE240] =	vst v9  }
0x434: {  	v46 =	vld.idx.msk [tilespmem:v33+s22+$0x0], $0xffff;
	v39 =	vadd.f32 v48, v34;
	v42 =	vadd.f32 v50, v37;
	[tilespmem:s7+$0xE250] =	vst v11  }
0x435: {  	v47 =	vadd.f32 v54, v43;
	v48 =	vld.idx.msk [tilespmem:v62+s23+$0x0], $0xffff;
	[tilespmem:s7+$0xE260] =	vst v29;
	v52 =	vadd.f32 v59, v57  }
0x436: {  	[tilespmem:s7+$0xE270] =	vst v36;
	v54 =	vadd.f32 v56, v4;
	v2 =	vadd.f32 v49, v39;
	v50 =	vld.idx.msk [tilespmem:v63+s23+$0x0], $0xffff  }
0x437: {  	[tilespmem:s7+$0xE230] =	vst v6;
	v6 =	vadd.f32 v51, v42;
	v49 =	vadd.f32 v53, v45;
	v53 =	vld.idx.msk [tilespmem:v28+s2+$0x0], $0xffff  }
0x438: {  	v51 =	vadd.f32 v55, v47;
	v55 =	vadd.f32 v41, v38;
	[tilespmem:s8+$0xE200] =	vst v2;
	v56 =	vld.idx.msk [tilespmem:v35+s2+$0x0], $0xffff  }
0x439: {  	v58 =	vadd.f32 v46, v44;
	v57 =	vadd.f32 v60, v52;
	[tilespmem:s8+$0xE210] =	vst v6  }
0x43a: {  	p2 =	por p1, p1;
	v59 =	vadd.f32 v8, v54;
	[tilespmem:s8+$0xE220] =	vst v49;
	v60 =	vadd.f32 v48, v55  }
.Ltmp6:
0x43b: {  	[tilespmem:s8+$0xE230] =	vst v51;
	v1 =	vadd.f32 v1, v57;
	v61 =	vadd.f32 v50, v58;
	(pc) =	sbr.rel @p2 .LBB2_9-.Ltmp6, $4  }
0x43c: {  	[tilespmem:s8+$0xE240] =	vst v59;
	v62 =	vadd.f32 v53, v60  }
0x43d: {  	[tilespmem:s8+$0xE250] =	vst v1;
	v63 =	vadd.f32 v56, v61  }
0x43e: {  	[tilespmem:s8+$0xE260] =	vst v62  }
0x43f: {  	p1 =	por $0x0, $0x0;
	s7 =	simm.s32 $0x100;
	[tilespmem:s8+$0xE270] =	vst v63  }
0x440: {  	s7 =	rddreg [dreg:$0x11]  }
.Ltmp7:
0x441: {  	s8 =	simm.s32 $0xE200;
	s11 =	simm.s32 $0x6;
	(pc) =	sbr.rel .LBB2_11-.Ltmp7, $4  }
0x442: {  	[hbm4b:s7+s5] =	stream.linear.scatter [tilespmem:s8], [sflag:$0x6], $0x200, $0x38;
	[tilespmem:$0x10900] =	vst v63  }
0x443: {  	_ =	swait.ge [sflag:s11], $0x200  }
0x444: {  	[sflag:s11] =	ssyncset.done $0x0  }
0x445: {  	[sflag:s11] =	ssyncadd.s32 $0xFFFFFE00  }
.LBB2_12:
0x446: {  	_ =	sfence.sel $0x180000  }
0x447: {  	[bflag:$0x0] =	sbarrier.arrive $0xFFFF  }
0x448: {  	_ =	strace $0x90000047  }
0x449: {  	s0 =	stileid.u32;
	[bflag:$0x2] =	sbarrier.arrive $0xFFFF  }
0x44a: {  	p0 =	sne.s32 s0, $0x0;
	s0 =	rddreg [dreg:$0x7]  }
0x44b: {  	s0 =	sadd.s32 @!p0 $0x100000, s0  }
0x44c: {  	[sflag:s0] =	ssyncadd.tile.s32 @!p0 $0x1;
	_ =	shalt  }
.Lfunc_end2:
_tile_overlayer_lowered:
.L_overlay_start_2:
0x44d: {  	(tag) =	ssettag $0x2  }
0x44e: {  	s0 =	rddreg [dreg:$0x0];
	s2 =	stileid.u32  }
0x44f: {  	s1 =	rddreg [dreg:$0x1];
	p0 =	sne.s32 s2, $0x0  }
0x450: {  	s3 =	rddreg [dreg:$0x2];
	[bflag:$0x3] =	sbarrier.arrive $0xFFFF;
	s2 =	simm.s32 @!p0 $0x1C06  }
0x451: {  	[timem:s3], [sflag:s2] =	dma.local @!p0 [hbm:s0], s1  }
0x452: {  	s0 =	simm.s32 @!p0 $0x6  }
0x453: {  	_ =	swait.ge @!p0 [sflag:s0], s1  }
0x454: {  	s1 =	ssub.s32 @!p0 $0x0, s1;
	[sflag:s0] =	ssyncset.done @!p0 $0x0  }
0x455: {  	[sflag:s0] =	ssyncadd.s32 @!p0 s1  }
0x456: {  	[bflag:$0x3] =	sbarrier.arrive $0xFFFF  }
0x457: {  	_ =	shalt  }

</sc_bundles>
